<compile_context>
chip_gen: v7x
topology: tpu7x:2x2x1
jax: 0.10.2.dev20260603
libtpu: 0.0.44.dev20260713+nightly
codegen_flags: <defaults>
</compile_context>

<pallas_src>
import jax
import jax.numpy as jnp
from jax import lax
from jax.experimental import pallas as pl
from jax.experimental.pallas import tpu as pltpu
from jax.experimental.pallas import tpu_sc as plsc

BATCH = 4096
SEQ = 200
EMBED = 64
NC = 2
NS = 16
NW = NC * NS
BLK = BATCH // NW
SHI = SEQ // 8
NQ = SEQ * NW // 2

H = 4
NGROUP = SEQ // H
NPAIR = NGROUP // 2


def _sc_body(ids_hbm, table_hbm, inter_hbm, ibuf, gbuf, *sems):
    gsem = sems[:2 * H]
    wsem = sems[2 * H:]
    w = lax.axis_index("s") * NC + lax.axis_index("c")
    q0 = w // 2
    colp = w % 2

    pltpu.sync_copy(ids_hbm.at[:, w], ibuf)

    def gather_start(s, b):
        pltpu.async_copy(table_hbm.at[ibuf.at[s // 8, s % 8]],
                         gbuf.at[b], gsem[b])

    def gather_wait(s, b):
        pltpu.make_async_copy(table_hbm.at[ibuf.at[s // 8, s % 8]],
                              gbuf.at[b], gsem[b]).wait()

    def _dst(s):
        return inter_hbm.at[s * 16 + q0, :, pl.ds(64 * colp, 64)]

    def write_start(s, b):
        pltpu.async_copy(gbuf.at[b], _dst(s), wsem[b])

    def write_wait(s, b):
        pltpu.make_async_copy(gbuf.at[b], _dst(s), wsem[b]).wait()

    for b in range(H):
        gather_start(b, b)

    def body(u, carry):
        for p in (0, 1):
            g = 2 * u + p
            c0 = g * H
            for b in range(H):
                gather_wait(c0 + b, p * H + b)
            for b in range(H):
                write_start(c0 + b, p * H + b)

            @pl.when(g >= 1)
            def _(c0=c0, p=p):
                for b in range(H):
                    write_wait(c0 - H + b, (1 - p) * H + b)

            @pl.when(g < NGROUP - 1)
            def _(c0=c0, p=p):
                for b in range(H):
                    gather_start(c0 + H + b, (1 - p) * H + b)
        return carry

    lax.fori_loop(0, NPAIR, body, 0)
    for b in range(H):
        write_wait(SEQ - H + b, H + b)


QB = 16


def _tc_body(in_ref, out_ref):
    for i in range(QB):
        t = in_ref[i].T
        t4 = t.reshape(2, 8, 8, BLK)
        out_ref[0, :, 2 * i, :, :] = t4[0]
        out_ref[0, :, 2 * i + 1, :, :] = t4[1]


def kernel(input_ids, table):
    ids4 = input_ids.T.reshape(SHI, 8, NW, BLK).transpose(0, 2, 1, 3)
    t2 = jax.lax.optimization_barrier(table.reshape(500000, 2 * EMBED))
    tlin = t2.reshape(1000000, EMBED)
    mesh = plsc.VectorSubcoreMesh(core_axis_name="c", subcore_axis_name="s")
    inter = pl.kernel(
        _sc_body,
        out_type=jax.ShapeDtypeStruct((NQ, BLK, BLK), jnp.float32),
        mesh=mesh,
        scratch_types=(
            [pltpu.VMEM((SHI, 8, BLK), jnp.int32),
             pltpu.VMEM((2 * H, BLK, EMBED), jnp.float32)]
            + [pltpu.SemaphoreType.DMA] * (4 * H)
        ),
        compiler_params=pltpu.CompilerParams(use_tc_tiling_on_sc=False,
                                             needs_layout_passes=False),
    )(ids4, tlin)

    out5 = pl.pallas_call(
        _tc_body,
        out_shape=jax.ShapeDtypeStruct((SEQ, 8, NW, 8, BLK), jnp.float32),
        grid=(NQ // QB,),
        in_specs=[pl.BlockSpec((QB, BLK, BLK), lambda t: (t, 0, 0))],
        out_specs=pl.BlockSpec((1, 8, 2 * QB, 8, BLK),
                               lambda t: (t, 0, 0, 0, 0)),
    )(inter)

    return out5.transpose(2, 4, 0, 1, 3).reshape(BATCH, SEQ, EMBED)

# --- scband reference (transcript-rebuilt; emitter-appended) ---
"""Pipeline reference for scband-embeddings-with-fixes-9526237463017 (READ-ONLY COPY).

The authoritative reference and input builder live on the scoring server;
editing this copy changes nothing except your own understanding.
"""

import jax, jax.numpy as jnp
import numpy as np

VOCAB = 1000000
EMBED_DIM = 64
BATCH = 4096
SEQ = 200


def setup_inputs(seed: int = 0) -> dict:
    key = jax.random.key(seed)
    k1, k2 = jax.random.split(key)
    input_ids = jax.random.randint(k1, (BATCH, SEQ), 0, VOCAB, dtype=jnp.int32)
    table = jax.random.normal(k2, (VOCAB, EMBED_DIM), dtype=jnp.float32)
    return {"input_ids": input_ids, "table": table}


def reference(input_ids, table):
    # EmbeddingsWithFixes.forward with fixes=None: a pure embedding lookup.
    # inputs_embeds = self.wrapped(input_ids)
    inputs_embeds = jnp.take(table, input_ids, axis=0)
    # batch_fixes is None -> return inputs_embeds directly
    return inputs_embeds

if __name__ == "__main__":
    import jax
    _d = setup_inputs()
    print(jax.jit(kernel)(*tuple(_d.values())))

</pallas_src>

<mosaic_0001>
#map = affine_map<(d0, d1) -> (0, 0, 0, 0)>
#map1 = affine_map<(d0, d1) -> (0, 0)>
#map2 = affine_map<(d0, d1) -> (0, 0, 0)>
module attributes {stable_mosaic.version = 14 : i64} {
  func.func @_sc_body(%arg0: i32, %arg1: i32, %arg2: memref<25x32x8x128xi32, #tpu.memory_space<hbm>>, %arg3: memref<1000000x64xf32, #tpu.memory_space<hbm>>, %arg4: memref<3200x128x128xf32, #tpu.memory_space<hbm>>, %arg5: memref<25x8x128xi32, #tpu.memory_space<vmem>>, %arg6: memref<8x128x64xf32, #tpu.memory_space<vmem>>, %arg7: memref<!tpu.dma_semaphore, #tpu.memory_space<semaphore_mem>>, %arg8: memref<!tpu.dma_semaphore, #tpu.memory_space<semaphore_mem>>, %arg9: memref<!tpu.dma_semaphore, #tpu.memory_space<semaphore_mem>>, %arg10: memref<!tpu.dma_semaphore, #tpu.memory_space<semaphore_mem>>, %arg11: memref<!tpu.dma_semaphore, #tpu.memory_space<semaphore_mem>>, %arg12: memref<!tpu.dma_semaphore, #tpu.memory_space<semaphore_mem>>, %arg13: memref<!tpu.dma_semaphore, #tpu.memory_space<semaphore_mem>>, %arg14: memref<!tpu.dma_semaphore, #tpu.memory_space<semaphore_mem>>, %arg15: memref<!tpu.dma_semaphore, #tpu.memory_space<semaphore_mem>>, %arg16: memref<!tpu.dma_semaphore, #tpu.memory_space<semaphore_mem>>, %arg17: memref<!tpu.dma_semaphore, #tpu.memory_space<semaphore_mem>>, %arg18: memref<!tpu.dma_semaphore, #tpu.memory_space<semaphore_mem>>, %arg19: memref<!tpu.dma_semaphore, #tpu.memory_space<semaphore_mem>>, %arg20: memref<!tpu.dma_semaphore, #tpu.memory_space<semaphore_mem>>, %arg21: memref<!tpu.dma_semaphore, #tpu.memory_space<semaphore_mem>>, %arg22: memref<!tpu.dma_semaphore, #tpu.memory_space<semaphore_mem>>) attributes {dimension_semantics = [#tpu.dimension_semantics<core_parallel>, #tpu.dimension_semantics<subcore_parallel>], iteration_bounds = array<i64: 2, 16>, scalar_prefetch = 0 : i64, scratch_operands = 18 : i64, tpu.core_type = #tpu.core_type<sc_vector_subcore>, window_params = [{transform_indices = #map}, {transform_indices = #map1}, {transform_indices = #map2}]} {
    %mul3A = arith.constant 2 : i32
    %mul3A_0 = arith.muli %arg1, %mul3A : i32
    %add3A = arith.addi %mul3A_0, %arg0 : i32
    %jit3A = arith.constant 2 : i32
    %div3A = arith.divsi %add3A, %jit3A : i32
    %sign3A = arith.constant 0 : i32
    %sign3A_1 = arith.cmpi sgt, %add3A, %sign3A : i32
    %sign3A_2 = arith.extui %sign3A_1 : i1 to i32
    %sign3A_3 = arith.constant 0 : i32
    %sign3A_4 = arith.cmpi slt, %add3A, %sign3A_3 : i32
    %sign3A_5 = arith.extui %sign3A_4 : i1 to i32
    %sign3A_6 = arith.subi %sign3A_2, %sign3A_5 : i32
    %sign3A_7 = arith.constant 0 : i32
    %sign3A_8 = arith.cmpi sgt, %jit3A, %sign3A_7 : i32
    %sign3A_9 = arith.extui %sign3A_8 : i1 to i32
    %sign3A_10 = arith.constant 0 : i32
    %sign3A_11 = arith.cmpi slt, %jit3A, %sign3A_10 : i32
    %sign3A_12 = arith.extui %sign3A_11 : i1 to i32
    %sign3A_13 = arith.subi %sign3A_9, %sign3A_12 : i32
    %ne3A = arith.cmpi ne, %sign3A_6, %sign3A_13 : i32
    %rem3A = arith.remsi %add3A, %jit3A : i32
    %ne3A_14 = arith.constant 0 : i32
    %ne3A_15 = arith.cmpi ne, %rem3A, %ne3A_14 : i32
    %and3A = arith.andi %ne3A, %ne3A_15 : i1
    %sub3A = arith.constant 1 : i32
    %sub3A_16 = arith.subi %div3A, %sub3A : i32
    %select_n3A = arith.select %and3A, %sub3A_16, %div3A : i32
    %jit3A_17 = arith.constant 2 : i32
    %eq3A = arith.constant 0 : i32
    %eq3A_18 = arith.cmpi eq, %jit3A_17, %eq3A : i32
    %jit3A_19 = arith.constant 1 : i32
    %select_n3A_20 = arith.select %eq3A_18, %jit3A_19, %jit3A_17 : i32
    %rem3A_21 = arith.remsi %add3A, %select_n3A_20 : i32
    %ne3A_22 = arith.constant 0 : i32
    %ne3A_23 = arith.cmpi ne, %rem3A_21, %ne3A_22 : i32
    %lt3A = arith.constant 0 : i32
    %lt3A_24 = arith.cmpi slt, %rem3A_21, %lt3A : i32
    %lt3A_25 = arith.constant 0 : i32
    %lt3A_26 = arith.cmpi slt, %select_n3A_20, %lt3A_25 : i32
    %ne3A_27 = arith.xori %lt3A_24, %lt3A_26 : i1
    %and3A_28 = arith.andi %ne3A_27, %ne3A_23 : i1
    %add3A_29 = arith.addi %rem3A_21, %select_n3A_20 : i32
    %select_n3A_30 = arith.select %and3A_28, %add3A_29, %rem3A_21 : i32
    "tpu.region"() ({
      %run_scoped3A = tpu.sem_alloc : memref<!tpu.dma_semaphore, #tpu.memory_space<semaphore_mem>>
      %dma_start3A_162 = arith.constant 0 : i32
      %dma_start3A_163 = arith.constant 0 : i32
      %dma_start3A_164 = arith.constant 0 : i32
      %dma_start3A_165 = tpu.memref_slice %arg2[%dma_start3A_162, %add3A, %dma_start3A_163, %dma_start3A_164] : memref<25x32x8x128xi32, #tpu.memory_space<hbm>> -> memref<25x1x8x128xi32, #tpu.memory_space<hbm>>
      %dma_start3A_166 = tpu.memref_squeeze %dma_start3A_165 : memref<25x1x8x128xi32, #tpu.memory_space<hbm>> -> memref<25x8x128xi32, #tpu.memory_space<hbm>>
      %dma_start3A_167 = arith.constant 0 : i32
      %dma_start3A_168 = arith.constant 0 : i32
      %dma_start3A_169 = arith.constant 0 : i32
      %dma_start3A_170 = tpu.memref_slice %arg2[%dma_start3A_167, %add3A, %dma_start3A_168, %dma_start3A_169] : memref<25x32x8x128xi32, #tpu.memory_space<hbm>> -> memref<25x1x8x128xi32, #tpu.memory_space<hbm>>
      %dma_start3A_171 = tpu.memref_squeeze %dma_start3A_170 : memref<25x1x8x128xi32, #tpu.memory_space<hbm>> -> memref<25x8x128xi32, #tpu.memory_space<hbm>>
      tpu.enqueue_dma source(%dma_start3A_171 : memref<25x8x128xi32, #tpu.memory_space<hbm>>) target(%arg5 : memref<25x8x128xi32, #tpu.memory_space<vmem>>) target_semaphore(%run_scoped3A : memref<!tpu.dma_semaphore, #tpu.memory_space<semaphore_mem>>)
      %dma_wait3A_172 = arith.constant 0 : i32
      %dma_wait3A_173 = arith.constant 0 : i32
      %dma_wait3A_174 = arith.constant 0 : i32
      %dma_wait3A_175 = tpu.memref_slice %arg2[%dma_wait3A_172, %add3A, %dma_wait3A_173, %dma_wait3A_174] : memref<25x32x8x128xi32, #tpu.memory_space<hbm>> -> memref<25x1x8x128xi32, #tpu.memory_space<hbm>>
      %dma_wait3A_176 = tpu.memref_squeeze %dma_wait3A_175 : memref<25x1x8x128xi32, #tpu.memory_space<hbm>> -> memref<25x8x128xi32, #tpu.memory_space<hbm>>
      %dma_wait3A_177 = arith.constant 0 : i32
      %dma_wait3A_178 = arith.constant 0 : i32
      %dma_wait3A_179 = arith.constant 0 : i32
      %dma_wait3A_180 = tpu.memref_slice %arg2[%dma_wait3A_177, %add3A, %dma_wait3A_178, %dma_wait3A_179] : memref<25x32x8x128xi32, #tpu.memory_space<hbm>> -> memref<25x1x8x128xi32, #tpu.memory_space<hbm>>
      %dma_wait3A_181 = tpu.memref_squeeze %dma_wait3A_180 : memref<25x1x8x128xi32, #tpu.memory_space<hbm>> -> memref<25x8x128xi32, #tpu.memory_space<hbm>>
      tpu.wait_dma2 semaphore(%run_scoped3A : memref<!tpu.dma_semaphore, #tpu.memory_space<semaphore_mem>>) src(%dma_wait3A_181 : memref<25x8x128xi32, #tpu.memory_space<hbm>>) dst(%arg5 : memref<25x8x128xi32, #tpu.memory_space<vmem>>)
      tpu.yield
    }) : () -> ()
    %dma_start3A = arith.constant 0 : i32
    %dma_start3A_31 = arith.constant 0 : i32
    %dma_start3A_32 = arith.constant 0 : i32
    %dma_start3A_33 = arith.constant 0 : i32
    %dma_start3A_34 = arith.constant 0 : i32
    %dma_start3A_35 = tpu.memref_slice %arg6[%dma_start3A_32, %dma_start3A_33, %dma_start3A_34] : memref<8x128x64xf32, #tpu.memory_space<vmem>> -> memref<1x128x64xf32, #tpu.memory_space<vmem>>
    %dma_start3A_36 = tpu.memref_squeeze %dma_start3A_35 : memref<1x128x64xf32, #tpu.memory_space<vmem>> -> memref<128x64xf32, #tpu.memory_space<vmem>>
    %dma_start3A_37 = arith.constant 0 : i32
    %dma_start3A_38 = tpu.memref_slice %arg5[%dma_start3A, %dma_start3A_31, %dma_start3A_37] : memref<25x8x128xi32, #tpu.memory_space<vmem>> -> memref<1x1x128xi32, #tpu.memory_space<vmem>>
    %dma_start3A_39 = tpu.memref_squeeze %dma_start3A_38 : memref<1x1x128xi32, #tpu.memory_space<vmem>> -> memref<128xi32, #tpu.memory_space<vmem>>
    %dma_start3A_40 = arith.constant 0 : i32
    %dma_start3A_41 = arith.constant 0 : i32
    %dma_start3A_42 = tpu.memref_slice %arg3[%dma_start3A_40, %dma_start3A_41] : memref<1000000x64xf32, #tpu.memory_space<hbm>> -> memref<1000000x64xf32, #tpu.memory_space<hbm>>
    tpu.enqueue_indirect_dma source(%dma_start3A_42 : memref<1000000x64xf32, #tpu.memory_space<hbm>>) target(%dma_start3A_36 : memref<128x64xf32, #tpu.memory_space<vmem>>) offsets(%dma_start3A_39 : memref<128xi32, #tpu.memory_space<vmem>>) semaphore(%arg7 : memref<!tpu.dma_semaphore, #tpu.memory_space<semaphore_mem>>)
    %dma_start3A_43 = arith.constant 0 : i32
    %dma_start3A_44 = arith.constant 1 : i32
    %dma_start3A_45 = arith.constant 1 : i32
    %dma_start3A_46 = arith.constant 0 : i32
    %dma_start3A_47 = arith.constant 0 : i32
    %dma_start3A_48 = tpu.memref_slice %arg6[%dma_start3A_45, %dma_start3A_46, %dma_start3A_47] : memref<8x128x64xf32, #tpu.memory_space<vmem>> -> memref<1x128x64xf32, #tpu.memory_space<vmem>>
    %dma_start3A_49 = tpu.memref_squeeze %dma_start3A_48 : memref<1x128x64xf32, #tpu.memory_space<vmem>> -> memref<128x64xf32, #tpu.memory_space<vmem>>
    %dma_start3A_50 = arith.constant 0 : i32
    %dma_start3A_51 = tpu.memref_slice %arg5[%dma_start3A_43, %dma_start3A_44, %dma_start3A_50] : memref<25x8x128xi32, #tpu.memory_space<vmem>> -> memref<1x1x128xi32, #tpu.memory_space<vmem>>
    %dma_start3A_52 = tpu.memref_squeeze %dma_start3A_51 : memref<1x1x128xi32, #tpu.memory_space<vmem>> -> memref<128xi32, #tpu.memory_space<vmem>>
    %dma_start3A_53 = arith.constant 0 : i32
    %dma_start3A_54 = arith.constant 0 : i32
    %dma_start3A_55 = tpu.memref_slice %arg3[%dma_start3A_53, %dma_start3A_54] : memref<1000000x64xf32, #tpu.memory_space<hbm>> -> memref<1000000x64xf32, #tpu.memory_space<hbm>>
    tpu.enqueue_indirect_dma source(%dma_start3A_55 : memref<1000000x64xf32, #tpu.memory_space<hbm>>) target(%dma_start3A_49 : memref<128x64xf32, #tpu.memory_space<vmem>>) offsets(%dma_start3A_52 : memref<128xi32, #tpu.memory_space<vmem>>) semaphore(%arg8 : memref<!tpu.dma_semaphore, #tpu.memory_space<semaphore_mem>>)
    %dma_start3A_56 = arith.constant 0 : i32
    %dma_start3A_57 = arith.constant 2 : i32
    %dma_start3A_58 = arith.constant 2 : i32
    %dma_start3A_59 = arith.constant 0 : i32
    %dma_start3A_60 = arith.constant 0 : i32
    %dma_start3A_61 = tpu.memref_slice %arg6[%dma_start3A_58, %dma_start3A_59, %dma_start3A_60] : memref<8x128x64xf32, #tpu.memory_space<vmem>> -> memref<1x128x64xf32, #tpu.memory_space<vmem>>
    %dma_start3A_62 = tpu.memref_squeeze %dma_start3A_61 : memref<1x128x64xf32, #tpu.memory_space<vmem>> -> memref<128x64xf32, #tpu.memory_space<vmem>>
    %dma_start3A_63 = arith.constant 0 : i32
    %dma_start3A_64 = tpu.memref_slice %arg5[%dma_start3A_56, %dma_start3A_57, %dma_start3A_63] : memref<25x8x128xi32, #tpu.memory_space<vmem>> -> memref<1x1x128xi32, #tpu.memory_space<vmem>>
    %dma_start3A_65 = tpu.memref_squeeze %dma_start3A_64 : memref<1x1x128xi32, #tpu.memory_space<vmem>> -> memref<128xi32, #tpu.memory_space<vmem>>
    %dma_start3A_66 = arith.constant 0 : i32
    %dma_start3A_67 = arith.constant 0 : i32
    %dma_start3A_68 = tpu.memref_slice %arg3[%dma_start3A_66, %dma_start3A_67] : memref<1000000x64xf32, #tpu.memory_space<hbm>> -> memref<1000000x64xf32, #tpu.memory_space<hbm>>
    tpu.enqueue_indirect_dma source(%dma_start3A_68 : memref<1000000x64xf32, #tpu.memory_space<hbm>>) target(%dma_start3A_62 : memref<128x64xf32, #tpu.memory_space<vmem>>) offsets(%dma_start3A_65 : memref<128xi32, #tpu.memory_space<vmem>>) semaphore(%arg9 : memref<!tpu.dma_semaphore, #tpu.memory_space<semaphore_mem>>)
    %dma_start3A_69 = arith.constant 0 : i32
    %dma_start3A_70 = arith.constant 3 : i32
    %dma_start3A_71 = arith.constant 3 : i32
    %dma_start3A_72 = arith.constant 0 : i32
    %dma_start3A_73 = arith.constant 0 : i32
    %dma_start3A_74 = tpu.memref_slice %arg6[%dma_start3A_71, %dma_start3A_72, %dma_start3A_73] : memref<8x128x64xf32, #tpu.memory_space<vmem>> -> memref<1x128x64xf32, #tpu.memory_space<vmem>>
    %dma_start3A_75 = tpu.memref_squeeze %dma_start3A_74 : memref<1x128x64xf32, #tpu.memory_space<vmem>> -> memref<128x64xf32, #tpu.memory_space<vmem>>
    %dma_start3A_76 = arith.constant 0 : i32
    %dma_start3A_77 = tpu.memref_slice %arg5[%dma_start3A_69, %dma_start3A_70, %dma_start3A_76] : memref<25x8x128xi32, #tpu.memory_space<vmem>> -> memref<1x1x128xi32, #tpu.memory_space<vmem>>
    %dma_start3A_78 = tpu.memref_squeeze %dma_start3A_77 : memref<1x1x128xi32, #tpu.memory_space<vmem>> -> memref<128xi32, #tpu.memory_space<vmem>>
    %dma_start3A_79 = arith.constant 0 : i32
    %dma_start3A_80 = arith.constant 0 : i32
    %dma_start3A_81 = tpu.memref_slice %arg3[%dma_start3A_79, %dma_start3A_80] : memref<1000000x64xf32, #tpu.memory_space<hbm>> -> memref<1000000x64xf32, #tpu.memory_space<hbm>>
    tpu.enqueue_indirect_dma source(%dma_start3A_81 : memref<1000000x64xf32, #tpu.memory_space<hbm>>) target(%dma_start3A_75 : memref<128x64xf32, #tpu.memory_space<vmem>>) offsets(%dma_start3A_78 : memref<128xi32, #tpu.memory_space<vmem>>) semaphore(%arg10 : memref<!tpu.dma_semaphore, #tpu.memory_space<semaphore_mem>>)
    %scan3A = arith.constant 0 : i32
    %scan3A_82 = arith.constant 0 : i32
    %scan3A_83 = arith.constant 25 : i32
    %scan3A_84 = arith.addi %scan3A_82, %scan3A_83 : i32
    %scan3A_85 = arith.constant 1 : i32
    scf.for %scan3A_162 = %scan3A_82 to %scan3A_84 step %scan3A_85  : i32 {
      %mul3A_163 = arith.constant 2 : i32
      %mul3A_164 = arith.muli %mul3A_163, %scan3A_162 : i32
      %add3A_165 = arith.constant 0 : i32
      %add3A_166 = arith.addi %mul3A_164, %add3A_165 : i32
      %mul3A_167 = arith.constant 4 : i32
      %mul3A_168 = arith.muli %add3A_166, %mul3A_167 : i32
      %add3A_169 = arith.constant 0 : i32
      %add3A_170 = arith.addi %mul3A_168, %add3A_169 : i32
      %jit3A_171 = arith.constant 8 : i32
      %div3A_172 = arith.divsi %add3A_170, %jit3A_171 : i32
      %sign3A_173 = arith.constant 0 : i32
      %sign3A_174 = arith.cmpi sgt, %add3A_170, %sign3A_173 : i32
      %sign3A_175 = arith.extui %sign3A_174 : i1 to i32
      %sign3A_176 = arith.constant 0 : i32
      %sign3A_177 = arith.cmpi slt, %add3A_170, %sign3A_176 : i32
      %sign3A_178 = arith.extui %sign3A_177 : i1 to i32
      %sign3A_179 = arith.subi %sign3A_175, %sign3A_178 : i32
      %sign3A_180 = arith.constant 0 : i32
      %sign3A_181 = arith.cmpi sgt, %jit3A_171, %sign3A_180 : i32
      %sign3A_182 = arith.extui %sign3A_181 : i1 to i32
      %sign3A_183 = arith.constant 0 : i32
      %sign3A_184 = arith.cmpi slt, %jit3A_171, %sign3A_183 : i32
      %sign3A_185 = arith.extui %sign3A_184 : i1 to i32
      %sign3A_186 = arith.subi %sign3A_182, %sign3A_185 : i32
      %ne3A_187 = arith.cmpi ne, %sign3A_179, %sign3A_186 : i32
      %rem3A_188 = arith.remsi %add3A_170, %jit3A_171 : i32
      %ne3A_189 = arith.constant 0 : i32
      %ne3A_190 = arith.cmpi ne, %rem3A_188, %ne3A_189 : i32
      %and3A_191 = arith.andi %ne3A_187, %ne3A_190 : i1
      %sub3A_192 = arith.constant 1 : i32
      %sub3A_193 = arith.subi %div3A_172, %sub3A_192 : i32
      %select_n3A_194 = arith.select %and3A_191, %sub3A_193, %div3A_172 : i32
      %jit3A_195 = arith.constant 8 : i32
      %eq3A_196 = arith.constant 0 : i32
      %eq3A_197 = arith.cmpi eq, %jit3A_195, %eq3A_196 : i32
      %jit3A_198 = arith.constant 1 : i32
      %select_n3A_199 = arith.select %eq3A_197, %jit3A_198, %jit3A_195 : i32
      %rem3A_200 = arith.remsi %add3A_170, %select_n3A_199 : i32
      %ne3A_201 = arith.constant 0 : i32
      %ne3A_202 = arith.cmpi ne, %rem3A_200, %ne3A_201 : i32
      %lt3A_203 = arith.constant 0 : i32
      %lt3A_204 = arith.cmpi slt, %rem3A_200, %lt3A_203 : i32
      %lt3A_205 = arith.constant 0 : i32
      %lt3A_206 = arith.cmpi slt, %select_n3A_199, %lt3A_205 : i32
      %ne3A_207 = arith.xori %lt3A_204, %lt3A_206 : i1
      %and3A_208 = arith.andi %ne3A_207, %ne3A_202 : i1
      %add3A_209 = arith.addi %rem3A_200, %select_n3A_199 : i32
      %select_n3A_210 = arith.select %and3A_208, %add3A_209, %rem3A_200 : i32
      %dma_wait3A_211 = arith.constant 0 : i32
      %dma_wait3A_212 = arith.constant 0 : i32
      %dma_wait3A_213 = arith.constant 0 : i32
      %dma_wait3A_214 = tpu.memref_slice %arg6[%dma_wait3A_211, %dma_wait3A_212, %dma_wait3A_213] : memref<8x128x64xf32, #tpu.memory_space<vmem>> -> memref<1x128x64xf32, #tpu.memory_space<vmem>>
      %dma_wait3A_215 = tpu.memref_squeeze %dma_wait3A_214 : memref<1x128x64xf32, #tpu.memory_space<vmem>> -> memref<128x64xf32, #tpu.memory_space<vmem>>
      %dma_wait3A_216 = arith.constant 0 : i32
      %dma_wait3A_217 = tpu.memref_slice %arg5[%select_n3A_194, %select_n3A_210, %dma_wait3A_216] : memref<25x8x128xi32, #tpu.memory_space<vmem>> -> memref<1x1x128xi32, #tpu.memory_space<vmem>>
      %dma_wait3A_218 = tpu.memref_squeeze %dma_wait3A_217 : memref<1x1x128xi32, #tpu.memory_space<vmem>> -> memref<128xi32, #tpu.memory_space<vmem>>
      %dma_wait3A_219 = arith.constant 0 : i32
      %dma_wait3A_220 = arith.constant 0 : i32
      %dma_wait3A_221 = tpu.memref_slice %arg3[%dma_wait3A_219, %dma_wait3A_220] : memref<1000000x64xf32, #tpu.memory_space<hbm>> -> memref<1000000x64xf32, #tpu.memory_space<hbm>>
      tpu.wait_indirect_dma semaphore(%arg7 : memref<!tpu.dma_semaphore, #tpu.memory_space<semaphore_mem>>) src(%dma_wait3A_221 : memref<1000000x64xf32, #tpu.memory_space<hbm>>) dst(%dma_wait3A_215 : memref<128x64xf32, #tpu.memory_space<vmem>>)
      %add3A_222 = arith.constant 1 : i32
      %add3A_223 = arith.addi %mul3A_168, %add3A_222 : i32
      %jit3A_224 = arith.constant 8 : i32
      %div3A_225 = arith.divsi %add3A_223, %jit3A_224 : i32
      %sign3A_226 = arith.constant 0 : i32
      %sign3A_227 = arith.cmpi sgt, %add3A_223, %sign3A_226 : i32
      %sign3A_228 = arith.extui %sign3A_227 : i1 to i32
      %sign3A_229 = arith.constant 0 : i32
      %sign3A_230 = arith.cmpi slt, %add3A_223, %sign3A_229 : i32
      %sign3A_231 = arith.extui %sign3A_230 : i1 to i32
      %sign3A_232 = arith.subi %sign3A_228, %sign3A_231 : i32
      %sign3A_233 = arith.constant 0 : i32
      %sign3A_234 = arith.cmpi sgt, %jit3A_224, %sign3A_233 : i32
      %sign3A_235 = arith.extui %sign3A_234 : i1 to i32
      %sign3A_236 = arith.constant 0 : i32
      %sign3A_237 = arith.cmpi slt, %jit3A_224, %sign3A_236 : i32
      %sign3A_238 = arith.extui %sign3A_237 : i1 to i32
      %sign3A_239 = arith.subi %sign3A_235, %sign3A_238 : i32
      %ne3A_240 = arith.cmpi ne, %sign3A_232, %sign3A_239 : i32
      %rem3A_241 = arith.remsi %add3A_223, %jit3A_224 : i32
      %ne3A_242 = arith.constant 0 : i32
      %ne3A_243 = arith.cmpi ne, %rem3A_241, %ne3A_242 : i32
      %and3A_244 = arith.andi %ne3A_240, %ne3A_243 : i1
      %sub3A_245 = arith.constant 1 : i32
      %sub3A_246 = arith.subi %div3A_225, %sub3A_245 : i32
      %select_n3A_247 = arith.select %and3A_244, %sub3A_246, %div3A_225 : i32
      %jit3A_248 = arith.constant 8 : i32
      %eq3A_249 = arith.constant 0 : i32
      %eq3A_250 = arith.cmpi eq, %jit3A_248, %eq3A_249 : i32
      %jit3A_251 = arith.constant 1 : i32
      %select_n3A_252 = arith.select %eq3A_250, %jit3A_251, %jit3A_248 : i32
      %rem3A_253 = arith.remsi %add3A_223, %select_n3A_252 : i32
      %ne3A_254 = arith.constant 0 : i32
      %ne3A_255 = arith.cmpi ne, %rem3A_253, %ne3A_254 : i32
      %lt3A_256 = arith.constant 0 : i32
      %lt3A_257 = arith.cmpi slt, %rem3A_253, %lt3A_256 : i32
      %lt3A_258 = arith.constant 0 : i32
      %lt3A_259 = arith.cmpi slt, %select_n3A_252, %lt3A_258 : i32
      %ne3A_260 = arith.xori %lt3A_257, %lt3A_259 : i1
      %and3A_261 = arith.andi %ne3A_260, %ne3A_255 : i1
      %add3A_262 = arith.addi %rem3A_253, %select_n3A_252 : i32
      %select_n3A_263 = arith.select %and3A_261, %add3A_262, %rem3A_253 : i32
      %dma_wait3A_264 = arith.constant 1 : i32
      %dma_wait3A_265 = arith.constant 0 : i32
      %dma_wait3A_266 = arith.constant 0 : i32
      %dma_wait3A_267 = tpu.memref_slice %arg6[%dma_wait3A_264, %dma_wait3A_265, %dma_wait3A_266] : memref<8x128x64xf32, #tpu.memory_space<vmem>> -> memref<1x128x64xf32, #tpu.memory_space<vmem>>
      %dma_wait3A_268 = tpu.memref_squeeze %dma_wait3A_267 : memref<1x128x64xf32, #tpu.memory_space<vmem>> -> memref<128x64xf32, #tpu.memory_space<vmem>>
      %dma_wait3A_269 = arith.constant 0 : i32
      %dma_wait3A_270 = tpu.memref_slice %arg5[%select_n3A_247, %select_n3A_263, %dma_wait3A_269] : memref<25x8x128xi32, #tpu.memory_space<vmem>> -> memref<1x1x128xi32, #tpu.memory_space<vmem>>
      %dma_wait3A_271 = tpu.memref_squeeze %dma_wait3A_270 : memref<1x1x128xi32, #tpu.memory_space<vmem>> -> memref<128xi32, #tpu.memory_space<vmem>>
      %dma_wait3A_272 = arith.constant 0 : i32
      %dma_wait3A_273 = arith.constant 0 : i32
      %dma_wait3A_274 = tpu.memref_slice %arg3[%dma_wait3A_272, %dma_wait3A_273] : memref<1000000x64xf32, #tpu.memory_space<hbm>> -> memref<1000000x64xf32, #tpu.memory_space<hbm>>
      tpu.wait_indirect_dma semaphore(%arg8 : memref<!tpu.dma_semaphore, #tpu.memory_space<semaphore_mem>>) src(%dma_wait3A_274 : memref<1000000x64xf32, #tpu.memory_space<hbm>>) dst(%dma_wait3A_268 : memref<128x64xf32, #tpu.memory_space<vmem>>)
      %add3A_275 = arith.constant 2 : i32
      %add3A_276 = arith.addi %mul3A_168, %add3A_275 : i32
      %jit3A_277 = arith.constant 8 : i32
      %div3A_278 = arith.divsi %add3A_276, %jit3A_277 : i32
      %sign3A_279 = arith.constant 0 : i32
      %sign3A_280 = arith.cmpi sgt, %add3A_276, %sign3A_279 : i32
      %sign3A_281 = arith.extui %sign3A_280 : i1 to i32
      %sign3A_282 = arith.constant 0 : i32
      %sign3A_283 = arith.cmpi slt, %add3A_276, %sign3A_282 : i32
      %sign3A_284 = arith.extui %sign3A_283 : i1 to i32
      %sign3A_285 = arith.subi %sign3A_281, %sign3A_284 : i32
      %sign3A_286 = arith.constant 0 : i32
      %sign3A_287 = arith.cmpi sgt, %jit3A_277, %sign3A_286 : i32
      %sign3A_288 = arith.extui %sign3A_287 : i1 to i32
      %sign3A_289 = arith.constant 0 : i32
      %sign3A_290 = arith.cmpi slt, %jit3A_277, %sign3A_289 : i32
      %sign3A_291 = arith.extui %sign3A_290 : i1 to i32
      %sign3A_292 = arith.subi %sign3A_288, %sign3A_291 : i32
      %ne3A_293 = arith.cmpi ne, %sign3A_285, %sign3A_292 : i32
      %rem3A_294 = arith.remsi %add3A_276, %jit3A_277 : i32
      %ne3A_295 = arith.constant 0 : i32
      %ne3A_296 = arith.cmpi ne, %rem3A_294, %ne3A_295 : i32
      %and3A_297 = arith.andi %ne3A_293, %ne3A_296 : i1
      %sub3A_298 = arith.constant 1 : i32
      %sub3A_299 = arith.subi %div3A_278, %sub3A_298 : i32
      %select_n3A_300 = arith.select %and3A_297, %sub3A_299, %div3A_278 : i32
      %jit3A_301 = arith.constant 8 : i32
      %eq3A_302 = arith.constant 0 : i32
      %eq3A_303 = arith.cmpi eq, %jit3A_301, %eq3A_302 : i32
      %jit3A_304 = arith.constant 1 : i32
      %select_n3A_305 = arith.select %eq3A_303, %jit3A_304, %jit3A_301 : i32
      %rem3A_306 = arith.remsi %add3A_276, %select_n3A_305 : i32
      %ne3A_307 = arith.constant 0 : i32
      %ne3A_308 = arith.cmpi ne, %rem3A_306, %ne3A_307 : i32
      %lt3A_309 = arith.constant 0 : i32
      %lt3A_310 = arith.cmpi slt, %rem3A_306, %lt3A_309 : i32
      %lt3A_311 = arith.constant 0 : i32
      %lt3A_312 = arith.cmpi slt, %select_n3A_305, %lt3A_311 : i32
      %ne3A_313 = arith.xori %lt3A_310, %lt3A_312 : i1
      %and3A_314 = arith.andi %ne3A_313, %ne3A_308 : i1
      %add3A_315 = arith.addi %rem3A_306, %select_n3A_305 : i32
      %select_n3A_316 = arith.select %and3A_314, %add3A_315, %rem3A_306 : i32
      %dma_wait3A_317 = arith.constant 2 : i32
      %dma_wait3A_318 = arith.constant 0 : i32
      %dma_wait3A_319 = arith.constant 0 : i32
      %dma_wait3A_320 = tpu.memref_slice %arg6[%dma_wait3A_317, %dma_wait3A_318, %dma_wait3A_319] : memref<8x128x64xf32, #tpu.memory_space<vmem>> -> memref<1x128x64xf32, #tpu.memory_space<vmem>>
      %dma_wait3A_321 = tpu.memref_squeeze %dma_wait3A_320 : memref<1x128x64xf32, #tpu.memory_space<vmem>> -> memref<128x64xf32, #tpu.memory_space<vmem>>
      %dma_wait3A_322 = arith.constant 0 : i32
      %dma_wait3A_323 = tpu.memref_slice %arg5[%select_n3A_300, %select_n3A_316, %dma_wait3A_322] : memref<25x8x128xi32, #tpu.memory_space<vmem>> -> memref<1x1x128xi32, #tpu.memory_space<vmem>>
      %dma_wait3A_324 = tpu.memref_squeeze %dma_wait3A_323 : memref<1x1x128xi32, #tpu.memory_space<vmem>> -> memref<128xi32, #tpu.memory_space<vmem>>
      %dma_wait3A_325 = arith.constant 0 : i32
      %dma_wait3A_326 = arith.constant 0 : i32
      %dma_wait3A_327 = tpu.memref_slice %arg3[%dma_wait3A_325, %dma_wait3A_326] : memref<1000000x64xf32, #tpu.memory_space<hbm>> -> memref<1000000x64xf32, #tpu.memory_space<hbm>>
      tpu.wait_indirect_dma semaphore(%arg9 : memref<!tpu.dma_semaphore, #tpu.memory_space<semaphore_mem>>) src(%dma_wait3A_327 : memref<1000000x64xf32, #tpu.memory_space<hbm>>) dst(%dma_wait3A_321 : memref<128x64xf32, #tpu.memory_space<vmem>>)
      %add3A_328 = arith.constant 3 : i32
      %add3A_329 = arith.addi %mul3A_168, %add3A_328 : i32
      %jit3A_330 = arith.constant 8 : i32
      %div3A_331 = arith.divsi %add3A_329, %jit3A_330 : i32
      %sign3A_332 = arith.constant 0 : i32
      %sign3A_333 = arith.cmpi sgt, %add3A_329, %sign3A_332 : i32
      %sign3A_334 = arith.extui %sign3A_333 : i1 to i32
      %sign3A_335 = arith.constant 0 : i32
      %sign3A_336 = arith.cmpi slt, %add3A_329, %sign3A_335 : i32
      %sign3A_337 = arith.extui %sign3A_336 : i1 to i32
      %sign3A_338 = arith.subi %sign3A_334, %sign3A_337 : i32
      %sign3A_339 = arith.constant 0 : i32
      %sign3A_340 = arith.cmpi sgt, %jit3A_330, %sign3A_339 : i32
      %sign3A_341 = arith.extui %sign3A_340 : i1 to i32
      %sign3A_342 = arith.constant 0 : i32
      %sign3A_343 = arith.cmpi slt, %jit3A_330, %sign3A_342 : i32
      %sign3A_344 = arith.extui %sign3A_343 : i1 to i32
      %sign3A_345 = arith.subi %sign3A_341, %sign3A_344 : i32
      %ne3A_346 = arith.cmpi ne, %sign3A_338, %sign3A_345 : i32
      %rem3A_347 = arith.remsi %add3A_329, %jit3A_330 : i32
      %ne3A_348 = arith.constant 0 : i32
      %ne3A_349 = arith.cmpi ne, %rem3A_347, %ne3A_348 : i32
      %and3A_350 = arith.andi %ne3A_346, %ne3A_349 : i1
      %sub3A_351 = arith.constant 1 : i32
      %sub3A_352 = arith.subi %div3A_331, %sub3A_351 : i32
      %select_n3A_353 = arith.select %and3A_350, %sub3A_352, %div3A_331 : i32
      %jit3A_354 = arith.constant 8 : i32
      %eq3A_355 = arith.constant 0 : i32
      %eq3A_356 = arith.cmpi eq, %jit3A_354, %eq3A_355 : i32
      %jit3A_357 = arith.constant 1 : i32
      %select_n3A_358 = arith.select %eq3A_356, %jit3A_357, %jit3A_354 : i32
      %rem3A_359 = arith.remsi %add3A_329, %select_n3A_358 : i32
      %ne3A_360 = arith.constant 0 : i32
      %ne3A_361 = arith.cmpi ne, %rem3A_359, %ne3A_360 : i32
      %lt3A_362 = arith.constant 0 : i32
      %lt3A_363 = arith.cmpi slt, %rem3A_359, %lt3A_362 : i32
      %lt3A_364 = arith.constant 0 : i32
      %lt3A_365 = arith.cmpi slt, %select_n3A_358, %lt3A_364 : i32
      %ne3A_366 = arith.xori %lt3A_363, %lt3A_365 : i1
      %and3A_367 = arith.andi %ne3A_366, %ne3A_361 : i1
      %add3A_368 = arith.addi %rem3A_359, %select_n3A_358 : i32
      %select_n3A_369 = arith.select %and3A_367, %add3A_368, %rem3A_359 : i32
      %dma_wait3A_370 = arith.constant 3 : i32
      %dma_wait3A_371 = arith.constant 0 : i32
      %dma_wait3A_372 = arith.constant 0 : i32
      %dma_wait3A_373 = tpu.memref_slice %arg6[%dma_wait3A_370, %dma_wait3A_371, %dma_wait3A_372] : memref<8x128x64xf32, #tpu.memory_space<vmem>> -> memref<1x128x64xf32, #tpu.memory_space<vmem>>
      %dma_wait3A_374 = tpu.memref_squeeze %dma_wait3A_373 : memref<1x128x64xf32, #tpu.memory_space<vmem>> -> memref<128x64xf32, #tpu.memory_space<vmem>>
      %dma_wait3A_375 = arith.constant 0 : i32
      %dma_wait3A_376 = tpu.memref_slice %arg5[%select_n3A_353, %select_n3A_369, %dma_wait3A_375] : memref<25x8x128xi32, #tpu.memory_space<vmem>> -> memref<1x1x128xi32, #tpu.memory_space<vmem>>
      %dma_wait3A_377 = tpu.memref_squeeze %dma_wait3A_376 : memref<1x1x128xi32, #tpu.memory_space<vmem>> -> memref<128xi32, #tpu.memory_space<vmem>>
      %dma_wait3A_378 = arith.constant 0 : i32
      %dma_wait3A_379 = arith.constant 0 : i32
      %dma_wait3A_380 = tpu.memref_slice %arg3[%dma_wait3A_378, %dma_wait3A_379] : memref<1000000x64xf32, #tpu.memory_space<hbm>> -> memref<1000000x64xf32, #tpu.memory_space<hbm>>
      tpu.wait_indirect_dma semaphore(%arg10 : memref<!tpu.dma_semaphore, #tpu.memory_space<semaphore_mem>>) src(%dma_wait3A_380 : memref<1000000x64xf32, #tpu.memory_space<hbm>>) dst(%dma_wait3A_374 : memref<128x64xf32, #tpu.memory_space<vmem>>)
      %add3A_381 = arith.constant 0 : i32
      %add3A_382 = arith.addi %mul3A_168, %add3A_381 : i32
      %mul3A_383 = arith.constant 16 : i32
      %mul3A_384 = arith.muli %add3A_382, %mul3A_383 : i32
      %add3A_385 = arith.addi %mul3A_384, %select_n3A : i32
      %mul3A_386 = arith.constant 64 : i32
      %mul3A_387 = arith.muli %mul3A_386, %select_n3A_30 : i32
      %dma_start3A_388 = arith.constant 0 : i32
      %dma_start3A_389 = arith.constant 0 : i32
      %dma_start3A_390 = arith.constant 0 : i32
      %dma_start3A_391 = tpu.memref_slice %arg6[%dma_start3A_388, %dma_start3A_389, %dma_start3A_390] : memref<8x128x64xf32, #tpu.memory_space<vmem>> -> memref<1x128x64xf32, #tpu.memory_space<vmem>>
      %dma_start3A_392 = tpu.memref_squeeze %dma_start3A_391 : memref<1x128x64xf32, #tpu.memory_space<vmem>> -> memref<128x64xf32, #tpu.memory_space<vmem>>
      %dma_start3A_393 = arith.constant 0 : i32
      %dma_start3A_394 = tpu.memref_slice %arg4[%add3A_385, %dma_start3A_393, %mul3A_387] : memref<3200x128x128xf32, #tpu.memory_space<hbm>> -> memref<1x128x64xf32, #tpu.memory_space<hbm>>
      %dma_start3A_395 = tpu.memref_squeeze %dma_start3A_394 : memref<1x128x64xf32, #tpu.memory_space<hbm>> -> memref<128x64xf32, #tpu.memory_space<hbm>>
      %dma_start3A_396 = arith.constant 0 : i32
      %dma_start3A_397 = tpu.memref_slice %arg4[%add3A_385, %dma_start3A_396, %mul3A_387] : memref<3200x128x128xf32, #tpu.memory_space<hbm>> -> memref<1x128x64xf32, #tpu.memory_space<hbm>>
      %dma_start3A_398 = tpu.memref_squeeze %dma_start3A_397 : memref<1x128x64xf32, #tpu.memory_space<hbm>> -> memref<128x64xf32, #tpu.memory_space<hbm>>
      %dma_start3A_399 = arith.constant 0 : i32
      %dma_start3A_400 = arith.constant 0 : i32
      %dma_start3A_401 = tpu.memref_slice %arg6[%dma_start3A_388, %dma_start3A_399, %dma_start3A_400] : memref<8x128x64xf32, #tpu.memory_space<vmem>> -> memref<1x128x64xf32, #tpu.memory_space<vmem>>
      %dma_start3A_402 = tpu.memref_squeeze %dma_start3A_401 : memref<1x128x64xf32, #tpu.memory_space<vmem>> -> memref<128x64xf32, #tpu.memory_space<vmem>>
      tpu.enqueue_dma source(%dma_start3A_402 : memref<128x64xf32, #tpu.memory_space<vmem>>) target(%dma_start3A_398 : memref<128x64xf32, #tpu.memory_space<hbm>>) target_semaphore(%arg15 : memref<!tpu.dma_semaphore, #tpu.memory_space<semaphore_mem>>)
      %add3A_403 = arith.constant 1 : i32
      %add3A_404 = arith.addi %mul3A_168, %add3A_403 : i32
      %mul3A_405 = arith.constant 16 : i32
      %mul3A_406 = arith.muli %add3A_404, %mul3A_405 : i32
      %add3A_407 = arith.addi %mul3A_406, %select_n3A : i32
      %mul3A_408 = arith.constant 64 : i32
      %mul3A_409 = arith.muli %mul3A_408, %select_n3A_30 : i32
      %dma_start3A_410 = arith.constant 1 : i32
      %dma_start3A_411 = arith.constant 0 : i32
      %dma_start3A_412 = arith.constant 0 : i32
      %dma_start3A_413 = tpu.memref_slice %arg6[%dma_start3A_410, %dma_start3A_411, %dma_start3A_412] : memref<8x128x64xf32, #tpu.memory_space<vmem>> -> memref<1x128x64xf32, #tpu.memory_space<vmem>>
      %dma_start3A_414 = tpu.memref_squeeze %dma_start3A_413 : memref<1x128x64xf32, #tpu.memory_space<vmem>> -> memref<128x64xf32, #tpu.memory_space<vmem>>
      %dma_start3A_415 = arith.constant 0 : i32
      %dma_start3A_416 = tpu.memref_slice %arg4[%add3A_407, %dma_start3A_415, %mul3A_409] : memref<3200x128x128xf32, #tpu.memory_space<hbm>> -> memref<1x128x64xf32, #tpu.memory_space<hbm>>
      %dma_start3A_417 = tpu.memref_squeeze %dma_start3A_416 : memref<1x128x64xf32, #tpu.memory_space<hbm>> -> memref<128x64xf32, #tpu.memory_space<hbm>>
      %dma_start3A_418 = arith.constant 0 : i32
      %dma_start3A_419 = tpu.memref_slice %arg4[%add3A_407, %dma_start3A_418, %mul3A_409] : memref<3200x128x128xf32, #tpu.memory_space<hbm>> -> memref<1x128x64xf32, #tpu.memory_space<hbm>>
      %dma_start3A_420 = tpu.memref_squeeze %dma_start3A_419 : memref<1x128x64xf32, #tpu.memory_space<hbm>> -> memref<128x64xf32, #tpu.memory_space<hbm>>
      %dma_start3A_421 = arith.constant 0 : i32
      %dma_start3A_422 = arith.constant 0 : i32
      %dma_start3A_423 = tpu.memref_slice %arg6[%dma_start3A_410, %dma_start3A_421, %dma_start3A_422] : memref<8x128x64xf32, #tpu.memory_space<vmem>> -> memref<1x128x64xf32, #tpu.memory_space<vmem>>
      %dma_start3A_424 = tpu.memref_squeeze %dma_start3A_423 : memref<1x128x64xf32, #tpu.memory_space<vmem>> -> memref<128x64xf32, #tpu.memory_space<vmem>>
      tpu.enqueue_dma source(%dma_start3A_424 : memref<128x64xf32, #tpu.memory_space<vmem>>) target(%dma_start3A_420 : memref<128x64xf32, #tpu.memory_space<hbm>>) target_semaphore(%arg16 : memref<!tpu.dma_semaphore, #tpu.memory_space<semaphore_mem>>)
      %add3A_425 = arith.constant 2 : i32
      %add3A_426 = arith.addi %mul3A_168, %add3A_425 : i32
      %mul3A_427 = arith.constant 16 : i32
      %mul3A_428 = arith.muli %add3A_426, %mul3A_427 : i32
      %add3A_429 = arith.addi %mul3A_428, %select_n3A : i32
      %mul3A_430 = arith.constant 64 : i32
      %mul3A_431 = arith.muli %mul3A_430, %select_n3A_30 : i32
      %dma_start3A_432 = arith.constant 2 : i32
      %dma_start3A_433 = arith.constant 0 : i32
      %dma_start3A_434 = arith.constant 0 : i32
      %dma_start3A_435 = tpu.memref_slice %arg6[%dma_start3A_432, %dma_start3A_433, %dma_start3A_434] : memref<8x128x64xf32, #tpu.memory_space<vmem>> -> memref<1x128x64xf32, #tpu.memory_space<vmem>>
      %dma_start3A_436 = tpu.memref_squeeze %dma_start3A_435 : memref<1x128x64xf32, #tpu.memory_space<vmem>> -> memref<128x64xf32, #tpu.memory_space<vmem>>
      %dma_start3A_437 = arith.constant 0 : i32
      %dma_start3A_438 = tpu.memref_slice %arg4[%add3A_429, %dma_start3A_437, %mul3A_431] : memref<3200x128x128xf32, #tpu.memory_space<hbm>> -> memref<1x128x64xf32, #tpu.memory_space<hbm>>
      %dma_start3A_439 = tpu.memref_squeeze %dma_start3A_438 : memref<1x128x64xf32, #tpu.memory_space<hbm>> -> memref<128x64xf32, #tpu.memory_space<hbm>>
      %dma_start3A_440 = arith.constant 0 : i32
      %dma_start3A_441 = tpu.memref_slice %arg4[%add3A_429, %dma_start3A_440, %mul3A_431] : memref<3200x128x128xf32, #tpu.memory_space<hbm>> -> memref<1x128x64xf32, #tpu.memory_space<hbm>>
      %dma_start3A_442 = tpu.memref_squeeze %dma_start3A_441 : memref<1x128x64xf32, #tpu.memory_space<hbm>> -> memref<128x64xf32, #tpu.memory_space<hbm>>
      %dma_start3A_443 = arith.constant 0 : i32
      %dma_start3A_444 = arith.constant 0 : i32
      %dma_start3A_445 = tpu.memref_slice %arg6[%dma_start3A_432, %dma_start3A_443, %dma_start3A_444] : memref<8x128x64xf32, #tpu.memory_space<vmem>> -> memref<1x128x64xf32, #tpu.memory_space<vmem>>
      %dma_start3A_446 = tpu.memref_squeeze %dma_start3A_445 : memref<1x128x64xf32, #tpu.memory_space<vmem>> -> memref<128x64xf32, #tpu.memory_space<vmem>>
      tpu.enqueue_dma source(%dma_start3A_446 : memref<128x64xf32, #tpu.memory_space<vmem>>) target(%dma_start3A_442 : memref<128x64xf32, #tpu.memory_space<hbm>>) target_semaphore(%arg17 : memref<!tpu.dma_semaphore, #tpu.memory_space<semaphore_mem>>)
      %add3A_447 = arith.constant 3 : i32
      %add3A_448 = arith.addi %mul3A_168, %add3A_447 : i32
      %mul3A_449 = arith.constant 16 : i32
      %mul3A_450 = arith.muli %add3A_448, %mul3A_449 : i32
      %add3A_451 = arith.addi %mul3A_450, %select_n3A : i32
      %mul3A_452 = arith.constant 64 : i32
      %mul3A_453 = arith.muli %mul3A_452, %select_n3A_30 : i32
      %dma_start3A_454 = arith.constant 3 : i32
      %dma_start3A_455 = arith.constant 0 : i32
      %dma_start3A_456 = arith.constant 0 : i32
      %dma_start3A_457 = tpu.memref_slice %arg6[%dma_start3A_454, %dma_start3A_455, %dma_start3A_456] : memref<8x128x64xf32, #tpu.memory_space<vmem>> -> memref<1x128x64xf32, #tpu.memory_space<vmem>>
      %dma_start3A_458 = tpu.memref_squeeze %dma_start3A_457 : memref<1x128x64xf32, #tpu.memory_space<vmem>> -> memref<128x64xf32, #tpu.memory_space<vmem>>
      %dma_start3A_459 = arith.constant 0 : i32
      %dma_start3A_460 = tpu.memref_slice %arg4[%add3A_451, %dma_start3A_459, %mul3A_453] : memref<3200x128x128xf32, #tpu.memory_space<hbm>> -> memref<1x128x64xf32, #tpu.memory_space<hbm>>
      %dma_start3A_461 = tpu.memref_squeeze %dma_start3A_460 : memref<1x128x64xf32, #tpu.memory_space<hbm>> -> memref<128x64xf32, #tpu.memory_space<hbm>>
      %dma_start3A_462 = arith.constant 0 : i32
      %dma_start3A_463 = tpu.memref_slice %arg4[%add3A_451, %dma_start3A_462, %mul3A_453] : memref<3200x128x128xf32, #tpu.memory_space<hbm>> -> memref<1x128x64xf32, #tpu.memory_space<hbm>>
      %dma_start3A_464 = tpu.memref_squeeze %dma_start3A_463 : memref<1x128x64xf32, #tpu.memory_space<hbm>> -> memref<128x64xf32, #tpu.memory_space<hbm>>
      %dma_start3A_465 = arith.constant 0 : i32
      %dma_start3A_466 = arith.constant 0 : i32
      %dma_start3A_467 = tpu.memref_slice %arg6[%dma_start3A_454, %dma_start3A_465, %dma_start3A_466] : memref<8x128x64xf32, #tpu.memory_space<vmem>> -> memref<1x128x64xf32, #tpu.memory_space<vmem>>
      %dma_start3A_468 = tpu.memref_squeeze %dma_start3A_467 : memref<1x128x64xf32, #tpu.memory_space<vmem>> -> memref<128x64xf32, #tpu.memory_space<vmem>>
      tpu.enqueue_dma source(%dma_start3A_468 : memref<128x64xf32, #tpu.memory_space<vmem>>) target(%dma_start3A_464 : memref<128x64xf32, #tpu.memory_space<hbm>>) target_semaphore(%arg18 : memref<!tpu.dma_semaphore, #tpu.memory_space<semaphore_mem>>)
      %ge3A = arith.constant 1 : i32
      %ge3A_469 = arith.cmpi sge, %add3A_166, %ge3A : i32
      %convert_element_type3A = arith.extui %ge3A_469 : i1 to i32
      %cond3A = arith.constant 0 : i32
      %cond3A_470 = arith.cmpi ne, %convert_element_type3A, %cond3A : i32
      scf.if %cond3A_470 {
        %sub3A_792 = arith.constant 4 : i32
        %sub3A_793 = arith.subi %mul3A_168, %sub3A_792 : i32
        %add3A_794 = arith.constant 0 : i32
        %add3A_795 = arith.addi %sub3A_793, %add3A_794 : i32
        %mul3A_796 = arith.constant 16 : i32
        %mul3A_797 = arith.muli %add3A_795, %mul3A_796 : i32
        %add3A_798 = arith.addi %mul3A_797, %select_n3A : i32
        %mul3A_799 = arith.constant 64 : i32
        %mul3A_800 = arith.muli %mul3A_799, %select_n3A_30 : i32
        %dma_wait3A_801 = arith.constant 4 : i32
        %dma_wait3A_802 = arith.constant 0 : i32
        %dma_wait3A_803 = arith.constant 0 : i32
        %dma_wait3A_804 = tpu.memref_slice %arg6[%dma_wait3A_801, %dma_wait3A_802, %dma_wait3A_803] : memref<8x128x64xf32, #tpu.memory_space<vmem>> -> memref<1x128x64xf32, #tpu.memory_space<vmem>>
        %dma_wait3A_805 = tpu.memref_squeeze %dma_wait3A_804 : memref<1x128x64xf32, #tpu.memory_space<vmem>> -> memref<128x64xf32, #tpu.memory_space<vmem>>
        %dma_wait3A_806 = arith.constant 0 : i32
        %dma_wait3A_807 = tpu.memref_slice %arg4[%add3A_798, %dma_wait3A_806, %mul3A_800] : memref<3200x128x128xf32, #tpu.memory_space<hbm>> -> memref<1x128x64xf32, #tpu.memory_space<hbm>>
        %dma_wait3A_808 = tpu.memref_squeeze %dma_wait3A_807 : memref<1x128x64xf32, #tpu.memory_space<hbm>> -> memref<128x64xf32, #tpu.memory_space<hbm>>
        %dma_wait3A_809 = arith.constant 0 : i32
        %dma_wait3A_810 = tpu.memref_slice %arg4[%add3A_798, %dma_wait3A_809, %mul3A_800] : memref<3200x128x128xf32, #tpu.memory_space<hbm>> -> memref<1x128x64xf32, #tpu.memory_space<hbm>>
        %dma_wait3A_811 = tpu.memref_squeeze %dma_wait3A_810 : memref<1x128x64xf32, #tpu.memory_space<hbm>> -> memref<128x64xf32, #tpu.memory_space<hbm>>
        %dma_wait3A_812 = arith.constant 0 : i32
        %dma_wait3A_813 = arith.constant 0 : i32
        %dma_wait3A_814 = tpu.memref_slice %arg6[%dma_wait3A_801, %dma_wait3A_812, %dma_wait3A_813] : memref<8x128x64xf32, #tpu.memory_space<vmem>> -> memref<1x128x64xf32, #tpu.memory_space<vmem>>
        %dma_wait3A_815 = tpu.memref_squeeze %dma_wait3A_814 : memref<1x128x64xf32, #tpu.memory_space<vmem>> -> memref<128x64xf32, #tpu.memory_space<vmem>>
        tpu.wait_dma2 semaphore(%arg19 : memref<!tpu.dma_semaphore, #tpu.memory_space<semaphore_mem>>) src(%dma_wait3A_815 : memref<128x64xf32, #tpu.memory_space<vmem>>) dst(%dma_wait3A_811 : memref<128x64xf32, #tpu.memory_space<hbm>>)
        %sub3A_816 = arith.constant 4 : i32
        %sub3A_817 = arith.subi %mul3A_168, %sub3A_816 : i32
        %add3A_818 = arith.constant 1 : i32
        %add3A_819 = arith.addi %sub3A_817, %add3A_818 : i32
        %mul3A_820 = arith.constant 16 : i32
        %mul3A_821 = arith.muli %add3A_819, %mul3A_820 : i32
        %add3A_822 = arith.addi %mul3A_821, %select_n3A : i32
        %mul3A_823 = arith.constant 64 : i32
        %mul3A_824 = arith.muli %mul3A_823, %select_n3A_30 : i32
        %dma_wait3A_825 = arith.constant 5 : i32
        %dma_wait3A_826 = arith.constant 0 : i32
        %dma_wait3A_827 = arith.constant 0 : i32
        %dma_wait3A_828 = tpu.memref_slice %arg6[%dma_wait3A_825, %dma_wait3A_826, %dma_wait3A_827] : memref<8x128x64xf32, #tpu.memory_space<vmem>> -> memref<1x128x64xf32, #tpu.memory_space<vmem>>
        %dma_wait3A_829 = tpu.memref_squeeze %dma_wait3A_828 : memref<1x128x64xf32, #tpu.memory_space<vmem>> -> memref<128x64xf32, #tpu.memory_space<vmem>>
        %dma_wait3A_830 = arith.constant 0 : i32
        %dma_wait3A_831 = tpu.memref_slice %arg4[%add3A_822, %dma_wait3A_830, %mul3A_824] : memref<3200x128x128xf32, #tpu.memory_space<hbm>> -> memref<1x128x64xf32, #tpu.memory_space<hbm>>
        %dma_wait3A_832 = tpu.memref_squeeze %dma_wait3A_831 : memref<1x128x64xf32, #tpu.memory_space<hbm>> -> memref<128x64xf32, #tpu.memory_space<hbm>>
        %dma_wait3A_833 = arith.constant 0 : i32
        %dma_wait3A_834 = tpu.memref_slice %arg4[%add3A_822, %dma_wait3A_833, %mul3A_824] : memref<3200x128x128xf32, #tpu.memory_space<hbm>> -> memref<1x128x64xf32, #tpu.memory_space<hbm>>
        %dma_wait3A_835 = tpu.memref_squeeze %dma_wait3A_834 : memref<1x128x64xf32, #tpu.memory_space<hbm>> -> memref<128x64xf32, #tpu.memory_space<hbm>>
        %dma_wait3A_836 = arith.constant 0 : i32
        %dma_wait3A_837 = arith.constant 0 : i32
        %dma_wait3A_838 = tpu.memref_slice %arg6[%dma_wait3A_825, %dma_wait3A_836, %dma_wait3A_837] : memref<8x128x64xf32, #tpu.memory_space<vmem>> -> memref<1x128x64xf32, #tpu.memory_space<vmem>>
        %dma_wait3A_839 = tpu.memref_squeeze %dma_wait3A_838 : memref<1x128x64xf32, #tpu.memory_space<vmem>> -> memref<128x64xf32, #tpu.memory_space<vmem>>
        tpu.wait_dma2 semaphore(%arg20 : memref<!tpu.dma_semaphore, #tpu.memory_space<semaphore_mem>>) src(%dma_wait3A_839 : memref<128x64xf32, #tpu.memory_space<vmem>>) dst(%dma_wait3A_835 : memref<128x64xf32, #tpu.memory_space<hbm>>)
        %sub3A_840 = arith.constant 4 : i32
        %sub3A_841 = arith.subi %mul3A_168, %sub3A_840 : i32
        %add3A_842 = arith.constant 2 : i32
        %add3A_843 = arith.addi %sub3A_841, %add3A_842 : i32
        %mul3A_844 = arith.constant 16 : i32
        %mul3A_845 = arith.muli %add3A_843, %mul3A_844 : i32
        %add3A_846 = arith.addi %mul3A_845, %select_n3A : i32
        %mul3A_847 = arith.constant 64 : i32
        %mul3A_848 = arith.muli %mul3A_847, %select_n3A_30 : i32
        %dma_wait3A_849 = arith.constant 6 : i32
        %dma_wait3A_850 = arith.constant 0 : i32
        %dma_wait3A_851 = arith.constant 0 : i32
        %dma_wait3A_852 = tpu.memref_slice %arg6[%dma_wait3A_849, %dma_wait3A_850, %dma_wait3A_851] : memref<8x128x64xf32, #tpu.memory_space<vmem>> -> memref<1x128x64xf32, #tpu.memory_space<vmem>>
        %dma_wait3A_853 = tpu.memref_squeeze %dma_wait3A_852 : memref<1x128x64xf32, #tpu.memory_space<vmem>> -> memref<128x64xf32, #tpu.memory_space<vmem>>
        %dma_wait3A_854 = arith.constant 0 : i32
        %dma_wait3A_855 = tpu.memref_slice %arg4[%add3A_846, %dma_wait3A_854, %mul3A_848] : memref<3200x128x128xf32, #tpu.memory_space<hbm>> -> memref<1x128x64xf32, #tpu.memory_space<hbm>>
        %dma_wait3A_856 = tpu.memref_squeeze %dma_wait3A_855 : memref<1x128x64xf32, #tpu.memory_space<hbm>> -> memref<128x64xf32, #tpu.memory_space<hbm>>
        %dma_wait3A_857 = arith.constant 0 : i32
        %dma_wait3A_858 = tpu.memref_slice %arg4[%add3A_846, %dma_wait3A_857, %mul3A_848] : memref<3200x128x128xf32, #tpu.memory_space<hbm>> -> memref<1x128x64xf32, #tpu.memory_space<hbm>>
        %dma_wait3A_859 = tpu.memref_squeeze %dma_wait3A_858 : memref<1x128x64xf32, #tpu.memory_space<hbm>> -> memref<128x64xf32, #tpu.memory_space<hbm>>
        %dma_wait3A_860 = arith.constant 0 : i32
        %dma_wait3A_861 = arith.constant 0 : i32
        %dma_wait3A_862 = tpu.memref_slice %arg6[%dma_wait3A_849, %dma_wait3A_860, %dma_wait3A_861] : memref<8x128x64xf32, #tpu.memory_space<vmem>> -> memref<1x128x64xf32, #tpu.memory_space<vmem>>
        %dma_wait3A_863 = tpu.memref_squeeze %dma_wait3A_862 : memref<1x128x64xf32, #tpu.memory_space<vmem>> -> memref<128x64xf32, #tpu.memory_space<vmem>>
        tpu.wait_dma2 semaphore(%arg21 : memref<!tpu.dma_semaphore, #tpu.memory_space<semaphore_mem>>) src(%dma_wait3A_863 : memref<128x64xf32, #tpu.memory_space<vmem>>) dst(%dma_wait3A_859 : memref<128x64xf32, #tpu.memory_space<hbm>>)
        %sub3A_864 = arith.constant 4 : i32
        %sub3A_865 = arith.subi %mul3A_168, %sub3A_864 : i32
        %add3A_866 = arith.constant 3 : i32
        %add3A_867 = arith.addi %sub3A_865, %add3A_866 : i32
        %mul3A_868 = arith.constant 16 : i32
        %mul3A_869 = arith.muli %add3A_867, %mul3A_868 : i32
        %add3A_870 = arith.addi %mul3A_869, %select_n3A : i32
        %mul3A_871 = arith.constant 64 : i32
        %mul3A_872 = arith.muli %mul3A_871, %select_n3A_30 : i32
        %dma_wait3A_873 = arith.constant 7 : i32
        %dma_wait3A_874 = arith.constant 0 : i32
        %dma_wait3A_875 = arith.constant 0 : i32
        %dma_wait3A_876 = tpu.memref_slice %arg6[%dma_wait3A_873, %dma_wait3A_874, %dma_wait3A_875] : memref<8x128x64xf32, #tpu.memory_space<vmem>> -> memref<1x128x64xf32, #tpu.memory_space<vmem>>
        %dma_wait3A_877 = tpu.memref_squeeze %dma_wait3A_876 : memref<1x128x64xf32, #tpu.memory_space<vmem>> -> memref<128x64xf32, #tpu.memory_space<vmem>>
        %dma_wait3A_878 = arith.constant 0 : i32
        %dma_wait3A_879 = tpu.memref_slice %arg4[%add3A_870, %dma_wait3A_878, %mul3A_872] : memref<3200x128x128xf32, #tpu.memory_space<hbm>> -> memref<1x128x64xf32, #tpu.memory_space<hbm>>
        %dma_wait3A_880 = tpu.memref_squeeze %dma_wait3A_879 : memref<1x128x64xf32, #tpu.memory_space<hbm>> -> memref<128x64xf32, #tpu.memory_space<hbm>>
        %dma_wait3A_881 = arith.constant 0 : i32
        %dma_wait3A_882 = tpu.memref_slice %arg4[%add3A_870, %dma_wait3A_881, %mul3A_872] : memref<3200x128x128xf32, #tpu.memory_space<hbm>> -> memref<1x128x64xf32, #tpu.memory_space<hbm>>
        %dma_wait3A_883 = tpu.memref_squeeze %dma_wait3A_882 : memref<1x128x64xf32, #tpu.memory_space<hbm>> -> memref<128x64xf32, #tpu.memory_space<hbm>>
        %dma_wait3A_884 = arith.constant 0 : i32
        %dma_wait3A_885 = arith.constant 0 : i32
        %dma_wait3A_886 = tpu.memref_slice %arg6[%dma_wait3A_873, %dma_wait3A_884, %dma_wait3A_885] : memref<8x128x64xf32, #tpu.memory_space<vmem>> -> memref<1x128x64xf32, #tpu.memory_space<vmem>>
        %dma_wait3A_887 = tpu.memref_squeeze %dma_wait3A_886 : memref<1x128x64xf32, #tpu.memory_space<vmem>> -> memref<128x64xf32, #tpu.memory_space<vmem>>
        tpu.wait_dma2 semaphore(%arg22 : memref<!tpu.dma_semaphore, #tpu.memory_space<semaphore_mem>>) src(%dma_wait3A_887 : memref<128x64xf32, #tpu.memory_space<vmem>>) dst(%dma_wait3A_883 : memref<128x64xf32, #tpu.memory_space<hbm>>)
      } else {
      }
      %lt3A_471 = arith.constant 49 : i32
      %lt3A_472 = arith.cmpi slt, %add3A_166, %lt3A_471 : i32
      %convert_element_type3A_473 = arith.extui %lt3A_472 : i1 to i32
      %cond3A_474 = arith.constant 0 : i32
      %cond3A_475 = arith.cmpi ne, %convert_element_type3A_473, %cond3A_474 : i32
      scf.if %cond3A_475 {
        %add3A_792 = arith.constant 4 : i32
        %add3A_793 = arith.addi %mul3A_168, %add3A_792 : i32
        %add3A_794 = arith.constant 0 : i32
        %add3A_795 = arith.addi %add3A_793, %add3A_794 : i32
        %jit3A_796 = arith.constant 8 : i32
        %div3A_797 = arith.divsi %add3A_795, %jit3A_796 : i32
        %sign3A_798 = arith.constant 0 : i32
        %sign3A_799 = arith.cmpi sgt, %add3A_795, %sign3A_798 : i32
        %sign3A_800 = arith.extui %sign3A_799 : i1 to i32
        %sign3A_801 = arith.constant 0 : i32
        %sign3A_802 = arith.cmpi slt, %add3A_795, %sign3A_801 : i32
        %sign3A_803 = arith.extui %sign3A_802 : i1 to i32
        %sign3A_804 = arith.subi %sign3A_800, %sign3A_803 : i32
        %sign3A_805 = arith.constant 0 : i32
        %sign3A_806 = arith.cmpi sgt, %jit3A_796, %sign3A_805 : i32
        %sign3A_807 = arith.extui %sign3A_806 : i1 to i32
        %sign3A_808 = arith.constant 0 : i32
        %sign3A_809 = arith.cmpi slt, %jit3A_796, %sign3A_808 : i32
        %sign3A_810 = arith.extui %sign3A_809 : i1 to i32
        %sign3A_811 = arith.subi %sign3A_807, %sign3A_810 : i32
        %ne3A_812 = arith.cmpi ne, %sign3A_804, %sign3A_811 : i32
        %rem3A_813 = arith.remsi %add3A_795, %jit3A_796 : i32
        %ne3A_814 = arith.constant 0 : i32
        %ne3A_815 = arith.cmpi ne, %rem3A_813, %ne3A_814 : i32
        %and3A_816 = arith.andi %ne3A_812, %ne3A_815 : i1
        %sub3A_817 = arith.constant 1 : i32
        %sub3A_818 = arith.subi %div3A_797, %sub3A_817 : i32
        %select_n3A_819 = arith.select %and3A_816, %sub3A_818, %div3A_797 : i32
        %jit3A_820 = arith.constant 8 : i32
        %eq3A_821 = arith.constant 0 : i32
        %eq3A_822 = arith.cmpi eq, %jit3A_820, %eq3A_821 : i32
        %jit3A_823 = arith.constant 1 : i32
        %select_n3A_824 = arith.select %eq3A_822, %jit3A_823, %jit3A_820 : i32
        %rem3A_825 = arith.remsi %add3A_795, %select_n3A_824 : i32
        %ne3A_826 = arith.constant 0 : i32
        %ne3A_827 = arith.cmpi ne, %rem3A_825, %ne3A_826 : i32
        %lt3A_828 = arith.constant 0 : i32
        %lt3A_829 = arith.cmpi slt, %rem3A_825, %lt3A_828 : i32
        %lt3A_830 = arith.constant 0 : i32
        %lt3A_831 = arith.cmpi slt, %select_n3A_824, %lt3A_830 : i32
        %ne3A_832 = arith.xori %lt3A_829, %lt3A_831 : i1
        %and3A_833 = arith.andi %ne3A_832, %ne3A_827 : i1
        %add3A_834 = arith.addi %rem3A_825, %select_n3A_824 : i32
        %select_n3A_835 = arith.select %and3A_833, %add3A_834, %rem3A_825 : i32
        %dma_start3A_836 = arith.constant 4 : i32
        %dma_start3A_837 = arith.constant 0 : i32
        %dma_start3A_838 = arith.constant 0 : i32
        %dma_start3A_839 = tpu.memref_slice %arg6[%dma_start3A_836, %dma_start3A_837, %dma_start3A_838] : memref<8x128x64xf32, #tpu.memory_space<vmem>> -> memref<1x128x64xf32, #tpu.memory_space<vmem>>
        %dma_start3A_840 = tpu.memref_squeeze %dma_start3A_839 : memref<1x128x64xf32, #tpu.memory_space<vmem>> -> memref<128x64xf32, #tpu.memory_space<vmem>>
        %dma_start3A_841 = arith.constant 0 : i32
        %dma_start3A_842 = tpu.memref_slice %arg5[%select_n3A_819, %select_n3A_835, %dma_start3A_841] : memref<25x8x128xi32, #tpu.memory_space<vmem>> -> memref<1x1x128xi32, #tpu.memory_space<vmem>>
        %dma_start3A_843 = tpu.memref_squeeze %dma_start3A_842 : memref<1x1x128xi32, #tpu.memory_space<vmem>> -> memref<128xi32, #tpu.memory_space<vmem>>
        %dma_start3A_844 = arith.constant 0 : i32
        %dma_start3A_845 = arith.constant 0 : i32
        %dma_start3A_846 = tpu.memref_slice %arg3[%dma_start3A_844, %dma_start3A_845] : memref<1000000x64xf32, #tpu.memory_space<hbm>> -> memref<1000000x64xf32, #tpu.memory_space<hbm>>
        tpu.enqueue_indirect_dma source(%dma_start3A_846 : memref<1000000x64xf32, #tpu.memory_space<hbm>>) target(%dma_start3A_840 : memref<128x64xf32, #tpu.memory_space<vmem>>) offsets(%dma_start3A_843 : memref<128xi32, #tpu.memory_space<vmem>>) semaphore(%arg11 : memref<!tpu.dma_semaphore, #tpu.memory_space<semaphore_mem>>)
        %add3A_847 = arith.constant 4 : i32
        %add3A_848 = arith.addi %mul3A_168, %add3A_847 : i32
        %add3A_849 = arith.constant 1 : i32
        %add3A_850 = arith.addi %add3A_848, %add3A_849 : i32
        %jit3A_851 = arith.constant 8 : i32
        %div3A_852 = arith.divsi %add3A_850, %jit3A_851 : i32
        %sign3A_853 = arith.constant 0 : i32
        %sign3A_854 = arith.cmpi sgt, %add3A_850, %sign3A_853 : i32
        %sign3A_855 = arith.extui %sign3A_854 : i1 to i32
        %sign3A_856 = arith.constant 0 : i32
        %sign3A_857 = arith.cmpi slt, %add3A_850, %sign3A_856 : i32
        %sign3A_858 = arith.extui %sign3A_857 : i1 to i32
        %sign3A_859 = arith.subi %sign3A_855, %sign3A_858 : i32
        %sign3A_860 = arith.constant 0 : i32
        %sign3A_861 = arith.cmpi sgt, %jit3A_851, %sign3A_860 : i32
        %sign3A_862 = arith.extui %sign3A_861 : i1 to i32
        %sign3A_863 = arith.constant 0 : i32
        %sign3A_864 = arith.cmpi slt, %jit3A_851, %sign3A_863 : i32
        %sign3A_865 = arith.extui %sign3A_864 : i1 to i32
        %sign3A_866 = arith.subi %sign3A_862, %sign3A_865 : i32
        %ne3A_867 = arith.cmpi ne, %sign3A_859, %sign3A_866 : i32
        %rem3A_868 = arith.remsi %add3A_850, %jit3A_851 : i32
        %ne3A_869 = arith.constant 0 : i32
        %ne3A_870 = arith.cmpi ne, %rem3A_868, %ne3A_869 : i32
        %and3A_871 = arith.andi %ne3A_867, %ne3A_870 : i1
        %sub3A_872 = arith.constant 1 : i32
        %sub3A_873 = arith.subi %div3A_852, %sub3A_872 : i32
        %select_n3A_874 = arith.select %and3A_871, %sub3A_873, %div3A_852 : i32
        %jit3A_875 = arith.constant 8 : i32
        %eq3A_876 = arith.constant 0 : i32
        %eq3A_877 = arith.cmpi eq, %jit3A_875, %eq3A_876 : i32
        %jit3A_878 = arith.constant 1 : i32
        %select_n3A_879 = arith.select %eq3A_877, %jit3A_878, %jit3A_875 : i32
        %rem3A_880 = arith.remsi %add3A_850, %select_n3A_879 : i32
        %ne3A_881 = arith.constant 0 : i32
        %ne3A_882 = arith.cmpi ne, %rem3A_880, %ne3A_881 : i32
        %lt3A_883 = arith.constant 0 : i32
        %lt3A_884 = arith.cmpi slt, %rem3A_880, %lt3A_883 : i32
        %lt3A_885 = arith.constant 0 : i32
        %lt3A_886 = arith.cmpi slt, %select_n3A_879, %lt3A_885 : i32
        %ne3A_887 = arith.xori %lt3A_884, %lt3A_886 : i1
        %and3A_888 = arith.andi %ne3A_887, %ne3A_882 : i1
        %add3A_889 = arith.addi %rem3A_880, %select_n3A_879 : i32
        %select_n3A_890 = arith.select %and3A_888, %add3A_889, %rem3A_880 : i32
        %dma_start3A_891 = arith.constant 5 : i32
        %dma_start3A_892 = arith.constant 0 : i32
        %dma_start3A_893 = arith.constant 0 : i32
        %dma_start3A_894 = tpu.memref_slice %arg6[%dma_start3A_891, %dma_start3A_892, %dma_start3A_893] : memref<8x128x64xf32, #tpu.memory_space<vmem>> -> memref<1x128x64xf32, #tpu.memory_space<vmem>>
        %dma_start3A_895 = tpu.memref_squeeze %dma_start3A_894 : memref<1x128x64xf32, #tpu.memory_space<vmem>> -> memref<128x64xf32, #tpu.memory_space<vmem>>
        %dma_start3A_896 = arith.constant 0 : i32
        %dma_start3A_897 = tpu.memref_slice %arg5[%select_n3A_874, %select_n3A_890, %dma_start3A_896] : memref<25x8x128xi32, #tpu.memory_space<vmem>> -> memref<1x1x128xi32, #tpu.memory_space<vmem>>
        %dma_start3A_898 = tpu.memref_squeeze %dma_start3A_897 : memref<1x1x128xi32, #tpu.memory_space<vmem>> -> memref<128xi32, #tpu.memory_space<vmem>>
        %dma_start3A_899 = arith.constant 0 : i32
        %dma_start3A_900 = arith.constant 0 : i32
        %dma_start3A_901 = tpu.memref_slice %arg3[%dma_start3A_899, %dma_start3A_900] : memref<1000000x64xf32, #tpu.memory_space<hbm>> -> memref<1000000x64xf32, #tpu.memory_space<hbm>>
        tpu.enqueue_indirect_dma source(%dma_start3A_901 : memref<1000000x64xf32, #tpu.memory_space<hbm>>) target(%dma_start3A_895 : memref<128x64xf32, #tpu.memory_space<vmem>>) offsets(%dma_start3A_898 : memref<128xi32, #tpu.memory_space<vmem>>) semaphore(%arg12 : memref<!tpu.dma_semaphore, #tpu.memory_space<semaphore_mem>>)
        %add3A_902 = arith.constant 4 : i32
        %add3A_903 = arith.addi %mul3A_168, %add3A_902 : i32
        %add3A_904 = arith.constant 2 : i32
        %add3A_905 = arith.addi %add3A_903, %add3A_904 : i32
        %jit3A_906 = arith.constant 8 : i32
        %div3A_907 = arith.divsi %add3A_905, %jit3A_906 : i32
        %sign3A_908 = arith.constant 0 : i32
        %sign3A_909 = arith.cmpi sgt, %add3A_905, %sign3A_908 : i32
        %sign3A_910 = arith.extui %sign3A_909 : i1 to i32
        %sign3A_911 = arith.constant 0 : i32
        %sign3A_912 = arith.cmpi slt, %add3A_905, %sign3A_911 : i32
        %sign3A_913 = arith.extui %sign3A_912 : i1 to i32
        %sign3A_914 = arith.subi %sign3A_910, %sign3A_913 : i32
        %sign3A_915 = arith.constant 0 : i32
        %sign3A_916 = arith.cmpi sgt, %jit3A_906, %sign3A_915 : i32
        %sign3A_917 = arith.extui %sign3A_916 : i1 to i32
        %sign3A_918 = arith.constant 0 : i32
        %sign3A_919 = arith.cmpi slt, %jit3A_906, %sign3A_918 : i32
        %sign3A_920 = arith.extui %sign3A_919 : i1 to i32
        %sign3A_921 = arith.subi %sign3A_917, %sign3A_920 : i32
        %ne3A_922 = arith.cmpi ne, %sign3A_914, %sign3A_921 : i32
        %rem3A_923 = arith.remsi %add3A_905, %jit3A_906 : i32
        %ne3A_924 = arith.constant 0 : i32
        %ne3A_925 = arith.cmpi ne, %rem3A_923, %ne3A_924 : i32
        %and3A_926 = arith.andi %ne3A_922, %ne3A_925 : i1
        %sub3A_927 = arith.constant 1 : i32
        %sub3A_928 = arith.subi %div3A_907, %sub3A_927 : i32
        %select_n3A_929 = arith.select %and3A_926, %sub3A_928, %div3A_907 : i32
        %jit3A_930 = arith.constant 8 : i32
        %eq3A_931 = arith.constant 0 : i32
        %eq3A_932 = arith.cmpi eq, %jit3A_930, %eq3A_931 : i32
        %jit3A_933 = arith.constant 1 : i32
        %select_n3A_934 = arith.select %eq3A_932, %jit3A_933, %jit3A_930 : i32
        %rem3A_935 = arith.remsi %add3A_905, %select_n3A_934 : i32
        %ne3A_936 = arith.constant 0 : i32
        %ne3A_937 = arith.cmpi ne, %rem3A_935, %ne3A_936 : i32
        %lt3A_938 = arith.constant 0 : i32
        %lt3A_939 = arith.cmpi slt, %rem3A_935, %lt3A_938 : i32
        %lt3A_940 = arith.constant 0 : i32
        %lt3A_941 = arith.cmpi slt, %select_n3A_934, %lt3A_940 : i32
        %ne3A_942 = arith.xori %lt3A_939, %lt3A_941 : i1
        %and3A_943 = arith.andi %ne3A_942, %ne3A_937 : i1
        %add3A_944 = arith.addi %rem3A_935, %select_n3A_934 : i32
        %select_n3A_945 = arith.select %and3A_943, %add3A_944, %rem3A_935 : i32
        %dma_start3A_946 = arith.constant 6 : i32
        %dma_start3A_947 = arith.constant 0 : i32
        %dma_start3A_948 = arith.constant 0 : i32
        %dma_start3A_949 = tpu.memref_slice %arg6[%dma_start3A_946, %dma_start3A_947, %dma_start3A_948] : memref<8x128x64xf32, #tpu.memory_space<vmem>> -> memref<1x128x64xf32, #tpu.memory_space<vmem>>
        %dma_start3A_950 = tpu.memref_squeeze %dma_start3A_949 : memref<1x128x64xf32, #tpu.memory_space<vmem>> -> memref<128x64xf32, #tpu.memory_space<vmem>>
        %dma_start3A_951 = arith.constant 0 : i32
        %dma_start3A_952 = tpu.memref_slice %arg5[%select_n3A_929, %select_n3A_945, %dma_start3A_951] : memref<25x8x128xi32, #tpu.memory_space<vmem>> -> memref<1x1x128xi32, #tpu.memory_space<vmem>>
        %dma_start3A_953 = tpu.memref_squeeze %dma_start3A_952 : memref<1x1x128xi32, #tpu.memory_space<vmem>> -> memref<128xi32, #tpu.memory_space<vmem>>
        %dma_start3A_954 = arith.constant 0 : i32
        %dma_start3A_955 = arith.constant 0 : i32
        %dma_start3A_956 = tpu.memref_slice %arg3[%dma_start3A_954, %dma_start3A_955] : memref<1000000x64xf32, #tpu.memory_space<hbm>> -> memref<1000000x64xf32, #tpu.memory_space<hbm>>
        tpu.enqueue_indirect_dma source(%dma_start3A_956 : memref<1000000x64xf32, #tpu.memory_space<hbm>>) target(%dma_start3A_950 : memref<128x64xf32, #tpu.memory_space<vmem>>) offsets(%dma_start3A_953 : memref<128xi32, #tpu.memory_space<vmem>>) semaphore(%arg13 : memref<!tpu.dma_semaphore, #tpu.memory_space<semaphore_mem>>)
        %add3A_957 = arith.constant 4 : i32
        %add3A_958 = arith.addi %mul3A_168, %add3A_957 : i32
        %add3A_959 = arith.constant 3 : i32
        %add3A_960 = arith.addi %add3A_958, %add3A_959 : i32
        %jit3A_961 = arith.constant 8 : i32
        %div3A_962 = arith.divsi %add3A_960, %jit3A_961 : i32
        %sign3A_963 = arith.constant 0 : i32
        %sign3A_964 = arith.cmpi sgt, %add3A_960, %sign3A_963 : i32
        %sign3A_965 = arith.extui %sign3A_964 : i1 to i32
        %sign3A_966 = arith.constant 0 : i32
        %sign3A_967 = arith.cmpi slt, %add3A_960, %sign3A_966 : i32
        %sign3A_968 = arith.extui %sign3A_967 : i1 to i32
        %sign3A_969 = arith.subi %sign3A_965, %sign3A_968 : i32
        %sign3A_970 = arith.constant 0 : i32
        %sign3A_971 = arith.cmpi sgt, %jit3A_961, %sign3A_970 : i32
        %sign3A_972 = arith.extui %sign3A_971 : i1 to i32
        %sign3A_973 = arith.constant 0 : i32
        %sign3A_974 = arith.cmpi slt, %jit3A_961, %sign3A_973 : i32
        %sign3A_975 = arith.extui %sign3A_974 : i1 to i32
        %sign3A_976 = arith.subi %sign3A_972, %sign3A_975 : i32
        %ne3A_977 = arith.cmpi ne, %sign3A_969, %sign3A_976 : i32
        %rem3A_978 = arith.remsi %add3A_960, %jit3A_961 : i32
        %ne3A_979 = arith.constant 0 : i32
        %ne3A_980 = arith.cmpi ne, %rem3A_978, %ne3A_979 : i32
        %and3A_981 = arith.andi %ne3A_977, %ne3A_980 : i1
        %sub3A_982 = arith.constant 1 : i32
        %sub3A_983 = arith.subi %div3A_962, %sub3A_982 : i32
        %select_n3A_984 = arith.select %and3A_981, %sub3A_983, %div3A_962 : i32
        %jit3A_985 = arith.constant 8 : i32
        %eq3A_986 = arith.constant 0 : i32
        %eq3A_987 = arith.cmpi eq, %jit3A_985, %eq3A_986 : i32
        %jit3A_988 = arith.constant 1 : i32
        %select_n3A_989 = arith.select %eq3A_987, %jit3A_988, %jit3A_985 : i32
        %rem3A_990 = arith.remsi %add3A_960, %select_n3A_989 : i32
        %ne3A_991 = arith.constant 0 : i32
        %ne3A_992 = arith.cmpi ne, %rem3A_990, %ne3A_991 : i32
        %lt3A_993 = arith.constant 0 : i32
        %lt3A_994 = arith.cmpi slt, %rem3A_990, %lt3A_993 : i32
        %lt3A_995 = arith.constant 0 : i32
        %lt3A_996 = arith.cmpi slt, %select_n3A_989, %lt3A_995 : i32
        %ne3A_997 = arith.xori %lt3A_994, %lt3A_996 : i1
        %and3A_998 = arith.andi %ne3A_997, %ne3A_992 : i1
        %add3A_999 = arith.addi %rem3A_990, %select_n3A_989 : i32
        %select_n3A_1000 = arith.select %and3A_998, %add3A_999, %rem3A_990 : i32
        %dma_start3A_1001 = arith.constant 7 : i32
        %dma_start3A_1002 = arith.constant 0 : i32
        %dma_start3A_1003 = arith.constant 0 : i32
        %dma_start3A_1004 = tpu.memref_slice %arg6[%dma_start3A_1001, %dma_start3A_1002, %dma_start3A_1003] : memref<8x128x64xf32, #tpu.memory_space<vmem>> -> memref<1x128x64xf32, #tpu.memory_space<vmem>>
        %dma_start3A_1005 = tpu.memref_squeeze %dma_start3A_1004 : memref<1x128x64xf32, #tpu.memory_space<vmem>> -> memref<128x64xf32, #tpu.memory_space<vmem>>
        %dma_start3A_1006 = arith.constant 0 : i32
        %dma_start3A_1007 = tpu.memref_slice %arg5[%select_n3A_984, %select_n3A_1000, %dma_start3A_1006] : memref<25x8x128xi32, #tpu.memory_space<vmem>> -> memref<1x1x128xi32, #tpu.memory_space<vmem>>
        %dma_start3A_1008 = tpu.memref_squeeze %dma_start3A_1007 : memref<1x1x128xi32, #tpu.memory_space<vmem>> -> memref<128xi32, #tpu.memory_space<vmem>>
        %dma_start3A_1009 = arith.constant 0 : i32
        %dma_start3A_1010 = arith.constant 0 : i32
        %dma_start3A_1011 = tpu.memref_slice %arg3[%dma_start3A_1009, %dma_start3A_1010] : memref<1000000x64xf32, #tpu.memory_space<hbm>> -> memref<1000000x64xf32, #tpu.memory_space<hbm>>
        tpu.enqueue_indirect_dma source(%dma_start3A_1011 : memref<1000000x64xf32, #tpu.memory_space<hbm>>) target(%dma_start3A_1005 : memref<128x64xf32, #tpu.memory_space<vmem>>) offsets(%dma_start3A_1008 : memref<128xi32, #tpu.memory_space<vmem>>) semaphore(%arg14 : memref<!tpu.dma_semaphore, #tpu.memory_space<semaphore_mem>>)
      } else {
      }
      %mul3A_476 = arith.constant 2 : i32
      %mul3A_477 = arith.muli %mul3A_476, %scan3A_162 : i32
      %add3A_478 = arith.constant 1 : i32
      %add3A_479 = arith.addi %mul3A_477, %add3A_478 : i32
      %mul3A_480 = arith.constant 4 : i32
      %mul3A_481 = arith.muli %add3A_479, %mul3A_480 : i32
      %add3A_482 = arith.constant 0 : i32
      %add3A_483 = arith.addi %mul3A_481, %add3A_482 : i32
      %jit3A_484 = arith.constant 8 : i32
      %div3A_485 = arith.divsi %add3A_483, %jit3A_484 : i32
      %sign3A_486 = arith.constant 0 : i32
      %sign3A_487 = arith.cmpi sgt, %add3A_483, %sign3A_486 : i32
      %sign3A_488 = arith.extui %sign3A_487 : i1 to i32
      %sign3A_489 = arith.constant 0 : i32
      %sign3A_490 = arith.cmpi slt, %add3A_483, %sign3A_489 : i32
      %sign3A_491 = arith.extui %sign3A_490 : i1 to i32
      %sign3A_492 = arith.subi %sign3A_488, %sign3A_491 : i32
      %sign3A_493 = arith.constant 0 : i32
      %sign3A_494 = arith.cmpi sgt, %jit3A_484, %sign3A_493 : i32
      %sign3A_495 = arith.extui %sign3A_494 : i1 to i32
      %sign3A_496 = arith.constant 0 : i32
      %sign3A_497 = arith.cmpi slt, %jit3A_484, %sign3A_496 : i32
      %sign3A_498 = arith.extui %sign3A_497 : i1 to i32
      %sign3A_499 = arith.subi %sign3A_495, %sign3A_498 : i32
      %ne3A_500 = arith.cmpi ne, %sign3A_492, %sign3A_499 : i32
      %rem3A_501 = arith.remsi %add3A_483, %jit3A_484 : i32
      %ne3A_502 = arith.constant 0 : i32
      %ne3A_503 = arith.cmpi ne, %rem3A_501, %ne3A_502 : i32
      %and3A_504 = arith.andi %ne3A_500, %ne3A_503 : i1
      %sub3A_505 = arith.constant 1 : i32
      %sub3A_506 = arith.subi %div3A_485, %sub3A_505 : i32
      %select_n3A_507 = arith.select %and3A_504, %sub3A_506, %div3A_485 : i32
      %jit3A_508 = arith.constant 8 : i32
      %eq3A_509 = arith.constant 0 : i32
      %eq3A_510 = arith.cmpi eq, %jit3A_508, %eq3A_509 : i32
      %jit3A_511 = arith.constant 1 : i32
      %select_n3A_512 = arith.select %eq3A_510, %jit3A_511, %jit3A_508 : i32
      %rem3A_513 = arith.remsi %add3A_483, %select_n3A_512 : i32
      %ne3A_514 = arith.constant 0 : i32
      %ne3A_515 = arith.cmpi ne, %rem3A_513, %ne3A_514 : i32
      %lt3A_516 = arith.constant 0 : i32
      %lt3A_517 = arith.cmpi slt, %rem3A_513, %lt3A_516 : i32
      %lt3A_518 = arith.constant 0 : i32
      %lt3A_519 = arith.cmpi slt, %select_n3A_512, %lt3A_518 : i32
      %ne3A_520 = arith.xori %lt3A_517, %lt3A_519 : i1
      %and3A_521 = arith.andi %ne3A_520, %ne3A_515 : i1
      %add3A_522 = arith.addi %rem3A_513, %select_n3A_512 : i32
      %select_n3A_523 = arith.select %and3A_521, %add3A_522, %rem3A_513 : i32
      %dma_wait3A_524 = arith.constant 4 : i32
      %dma_wait3A_525 = arith.constant 0 : i32
      %dma_wait3A_526 = arith.constant 0 : i32
      %dma_wait3A_527 = tpu.memref_slice %arg6[%dma_wait3A_524, %dma_wait3A_525, %dma_wait3A_526] : memref<8x128x64xf32, #tpu.memory_space<vmem>> -> memref<1x128x64xf32, #tpu.memory_space<vmem>>
      %dma_wait3A_528 = tpu.memref_squeeze %dma_wait3A_527 : memref<1x128x64xf32, #tpu.memory_space<vmem>> -> memref<128x64xf32, #tpu.memory_space<vmem>>
      %dma_wait3A_529 = arith.constant 0 : i32
      %dma_wait3A_530 = tpu.memref_slice %arg5[%select_n3A_507, %select_n3A_523, %dma_wait3A_529] : memref<25x8x128xi32, #tpu.memory_space<vmem>> -> memref<1x1x128xi32, #tpu.memory_space<vmem>>
      %dma_wait3A_531 = tpu.memref_squeeze %dma_wait3A_530 : memref<1x1x128xi32, #tpu.memory_space<vmem>> -> memref<128xi32, #tpu.memory_space<vmem>>
      %dma_wait3A_532 = arith.constant 0 : i32
      %dma_wait3A_533 = arith.constant 0 : i32
      %dma_wait3A_534 = tpu.memref_slice %arg3[%dma_wait3A_532, %dma_wait3A_533] : memref<1000000x64xf32, #tpu.memory_space<hbm>> -> memref<1000000x64xf32, #tpu.memory_space<hbm>>
      tpu.wait_indirect_dma semaphore(%arg11 : memref<!tpu.dma_semaphore, #tpu.memory_space<semaphore_mem>>) src(%dma_wait3A_534 : memref<1000000x64xf32, #tpu.memory_space<hbm>>) dst(%dma_wait3A_528 : memref<128x64xf32, #tpu.memory_space<vmem>>)
      %add3A_535 = arith.constant 1 : i32
      %add3A_536 = arith.addi %mul3A_481, %add3A_535 : i32
      %jit3A_537 = arith.constant 8 : i32
      %div3A_538 = arith.divsi %add3A_536, %jit3A_537 : i32
      %sign3A_539 = arith.constant 0 : i32
      %sign3A_540 = arith.cmpi sgt, %add3A_536, %sign3A_539 : i32
      %sign3A_541 = arith.extui %sign3A_540 : i1 to i32
      %sign3A_542 = arith.constant 0 : i32
      %sign3A_543 = arith.cmpi slt, %add3A_536, %sign3A_542 : i32
      %sign3A_544 = arith.extui %sign3A_543 : i1 to i32
      %sign3A_545 = arith.subi %sign3A_541, %sign3A_544 : i32
      %sign3A_546 = arith.constant 0 : i32
      %sign3A_547 = arith.cmpi sgt, %jit3A_537, %sign3A_546 : i32
      %sign3A_548 = arith.extui %sign3A_547 : i1 to i32
      %sign3A_549 = arith.constant 0 : i32
      %sign3A_550 = arith.cmpi slt, %jit3A_537, %sign3A_549 : i32
      %sign3A_551 = arith.extui %sign3A_550 : i1 to i32
      %sign3A_552 = arith.subi %sign3A_548, %sign3A_551 : i32
      %ne3A_553 = arith.cmpi ne, %sign3A_545, %sign3A_552 : i32
      %rem3A_554 = arith.remsi %add3A_536, %jit3A_537 : i32
      %ne3A_555 = arith.constant 0 : i32
      %ne3A_556 = arith.cmpi ne, %rem3A_554, %ne3A_555 : i32
      %and3A_557 = arith.andi %ne3A_553, %ne3A_556 : i1
      %sub3A_558 = arith.constant 1 : i32
      %sub3A_559 = arith.subi %div3A_538, %sub3A_558 : i32
      %select_n3A_560 = arith.select %and3A_557, %sub3A_559, %div3A_538 : i32
      %jit3A_561 = arith.constant 8 : i32
      %eq3A_562 = arith.constant 0 : i32
      %eq3A_563 = arith.cmpi eq, %jit3A_561, %eq3A_562 : i32
      %jit3A_564 = arith.constant 1 : i32
      %select_n3A_565 = arith.select %eq3A_563, %jit3A_564, %jit3A_561 : i32
      %rem3A_566 = arith.remsi %add3A_536, %select_n3A_565 : i32
      %ne3A_567 = arith.constant 0 : i32
      %ne3A_568 = arith.cmpi ne, %rem3A_566, %ne3A_567 : i32
      %lt3A_569 = arith.constant 0 : i32
      %lt3A_570 = arith.cmpi slt, %rem3A_566, %lt3A_569 : i32
      %lt3A_571 = arith.constant 0 : i32
      %lt3A_572 = arith.cmpi slt, %select_n3A_565, %lt3A_571 : i32
      %ne3A_573 = arith.xori %lt3A_570, %lt3A_572 : i1
      %and3A_574 = arith.andi %ne3A_573, %ne3A_568 : i1
      %add3A_575 = arith.addi %rem3A_566, %select_n3A_565 : i32
      %select_n3A_576 = arith.select %and3A_574, %add3A_575, %rem3A_566 : i32
      %dma_wait3A_577 = arith.constant 5 : i32
      %dma_wait3A_578 = arith.constant 0 : i32
      %dma_wait3A_579 = arith.constant 0 : i32
      %dma_wait3A_580 = tpu.memref_slice %arg6[%dma_wait3A_577, %dma_wait3A_578, %dma_wait3A_579] : memref<8x128x64xf32, #tpu.memory_space<vmem>> -> memref<1x128x64xf32, #tpu.memory_space<vmem>>
      %dma_wait3A_581 = tpu.memref_squeeze %dma_wait3A_580 : memref<1x128x64xf32, #tpu.memory_space<vmem>> -> memref<128x64xf32, #tpu.memory_space<vmem>>
      %dma_wait3A_582 = arith.constant 0 : i32
      %dma_wait3A_583 = tpu.memref_slice %arg5[%select_n3A_560, %select_n3A_576, %dma_wait3A_582] : memref<25x8x128xi32, #tpu.memory_space<vmem>> -> memref<1x1x128xi32, #tpu.memory_space<vmem>>
      %dma_wait3A_584 = tpu.memref_squeeze %dma_wait3A_583 : memref<1x1x128xi32, #tpu.memory_space<vmem>> -> memref<128xi32, #tpu.memory_space<vmem>>
      %dma_wait3A_585 = arith.constant 0 : i32
      %dma_wait3A_586 = arith.constant 0 : i32
      %dma_wait3A_587 = tpu.memref_slice %arg3[%dma_wait3A_585, %dma_wait3A_586] : memref<1000000x64xf32, #tpu.memory_space<hbm>> -> memref<1000000x64xf32, #tpu.memory_space<hbm>>
      tpu.wait_indirect_dma semaphore(%arg12 : memref<!tpu.dma_semaphore, #tpu.memory_space<semaphore_mem>>) src(%dma_wait3A_587 : memref<1000000x64xf32, #tpu.memory_space<hbm>>) dst(%dma_wait3A_581 : memref<128x64xf32, #tpu.memory_space<vmem>>)
      %add3A_588 = arith.constant 2 : i32
      %add3A_589 = arith.addi %mul3A_481, %add3A_588 : i32
      %jit3A_590 = arith.constant 8 : i32
      %div3A_591 = arith.divsi %add3A_589, %jit3A_590 : i32
      %sign3A_592 = arith.constant 0 : i32
      %sign3A_593 = arith.cmpi sgt, %add3A_589, %sign3A_592 : i32
      %sign3A_594 = arith.extui %sign3A_593 : i1 to i32
      %sign3A_595 = arith.constant 0 : i32
      %sign3A_596 = arith.cmpi slt, %add3A_589, %sign3A_595 : i32
      %sign3A_597 = arith.extui %sign3A_596 : i1 to i32
      %sign3A_598 = arith.subi %sign3A_594, %sign3A_597 : i32
      %sign3A_599 = arith.constant 0 : i32
      %sign3A_600 = arith.cmpi sgt, %jit3A_590, %sign3A_599 : i32
      %sign3A_601 = arith.extui %sign3A_600 : i1 to i32
      %sign3A_602 = arith.constant 0 : i32
      %sign3A_603 = arith.cmpi slt, %jit3A_590, %sign3A_602 : i32
      %sign3A_604 = arith.extui %sign3A_603 : i1 to i32
      %sign3A_605 = arith.subi %sign3A_601, %sign3A_604 : i32
      %ne3A_606 = arith.cmpi ne, %sign3A_598, %sign3A_605 : i32
      %rem3A_607 = arith.remsi %add3A_589, %jit3A_590 : i32
      %ne3A_608 = arith.constant 0 : i32
      %ne3A_609 = arith.cmpi ne, %rem3A_607, %ne3A_608 : i32
      %and3A_610 = arith.andi %ne3A_606, %ne3A_609 : i1
      %sub3A_611 = arith.constant 1 : i32
      %sub3A_612 = arith.subi %div3A_591, %sub3A_611 : i32
      %select_n3A_613 = arith.select %and3A_610, %sub3A_612, %div3A_591 : i32
      %jit3A_614 = arith.constant 8 : i32
      %eq3A_615 = arith.constant 0 : i32
      %eq3A_616 = arith.cmpi eq, %jit3A_614, %eq3A_615 : i32
      %jit3A_617 = arith.constant 1 : i32
      %select_n3A_618 = arith.select %eq3A_616, %jit3A_617, %jit3A_614 : i32
      %rem3A_619 = arith.remsi %add3A_589, %select_n3A_618 : i32
      %ne3A_620 = arith.constant 0 : i32
      %ne3A_621 = arith.cmpi ne, %rem3A_619, %ne3A_620 : i32
      %lt3A_622 = arith.constant 0 : i32
      %lt3A_623 = arith.cmpi slt, %rem3A_619, %lt3A_622 : i32
      %lt3A_624 = arith.constant 0 : i32
      %lt3A_625 = arith.cmpi slt, %select_n3A_618, %lt3A_624 : i32
      %ne3A_626 = arith.xori %lt3A_623, %lt3A_625 : i1
      %and3A_627 = arith.andi %ne3A_626, %ne3A_621 : i1
      %add3A_628 = arith.addi %rem3A_619, %select_n3A_618 : i32
      %select_n3A_629 = arith.select %and3A_627, %add3A_628, %rem3A_619 : i32
      %dma_wait3A_630 = arith.constant 6 : i32
      %dma_wait3A_631 = arith.constant 0 : i32
      %dma_wait3A_632 = arith.constant 0 : i32
      %dma_wait3A_633 = tpu.memref_slice %arg6[%dma_wait3A_630, %dma_wait3A_631, %dma_wait3A_632] : memref<8x128x64xf32, #tpu.memory_space<vmem>> -> memref<1x128x64xf32, #tpu.memory_space<vmem>>
      %dma_wait3A_634 = tpu.memref_squeeze %dma_wait3A_633 : memref<1x128x64xf32, #tpu.memory_space<vmem>> -> memref<128x64xf32, #tpu.memory_space<vmem>>
      %dma_wait3A_635 = arith.constant 0 : i32
      %dma_wait3A_636 = tpu.memref_slice %arg5[%select_n3A_613, %select_n3A_629, %dma_wait3A_635] : memref<25x8x128xi32, #tpu.memory_space<vmem>> -> memref<1x1x128xi32, #tpu.memory_space<vmem>>
      %dma_wait3A_637 = tpu.memref_squeeze %dma_wait3A_636 : memref<1x1x128xi32, #tpu.memory_space<vmem>> -> memref<128xi32, #tpu.memory_space<vmem>>
      %dma_wait3A_638 = arith.constant 0 : i32
      %dma_wait3A_639 = arith.constant 0 : i32
      %dma_wait3A_640 = tpu.memref_slice %arg3[%dma_wait3A_638, %dma_wait3A_639] : memref<1000000x64xf32, #tpu.memory_space<hbm>> -> memref<1000000x64xf32, #tpu.memory_space<hbm>>
      tpu.wait_indirect_dma semaphore(%arg13 : memref<!tpu.dma_semaphore, #tpu.memory_space<semaphore_mem>>) src(%dma_wait3A_640 : memref<1000000x64xf32, #tpu.memory_space<hbm>>) dst(%dma_wait3A_634 : memref<128x64xf32, #tpu.memory_space<vmem>>)
      %add3A_641 = arith.constant 3 : i32
      %add3A_642 = arith.addi %mul3A_481, %add3A_641 : i32
      %jit3A_643 = arith.constant 8 : i32
      %div3A_644 = arith.divsi %add3A_642, %jit3A_643 : i32
      %sign3A_645 = arith.constant 0 : i32
      %sign3A_646 = arith.cmpi sgt, %add3A_642, %sign3A_645 : i32
      %sign3A_647 = arith.extui %sign3A_646 : i1 to i32
      %sign3A_648 = arith.constant 0 : i32
      %sign3A_649 = arith.cmpi slt, %add3A_642, %sign3A_648 : i32
      %sign3A_650 = arith.extui %sign3A_649 : i1 to i32
      %sign3A_651 = arith.subi %sign3A_647, %sign3A_650 : i32
      %sign3A_652 = arith.constant 0 : i32
      %sign3A_653 = arith.cmpi sgt, %jit3A_643, %sign3A_652 : i32
      %sign3A_654 = arith.extui %sign3A_653 : i1 to i32
      %sign3A_655 = arith.constant 0 : i32
      %sign3A_656 = arith.cmpi slt, %jit3A_643, %sign3A_655 : i32
      %sign3A_657 = arith.extui %sign3A_656 : i1 to i32
      %sign3A_658 = arith.subi %sign3A_654, %sign3A_657 : i32
      %ne3A_659 = arith.cmpi ne, %sign3A_651, %sign3A_658 : i32
      %rem3A_660 = arith.remsi %add3A_642, %jit3A_643 : i32
      %ne3A_661 = arith.constant 0 : i32
      %ne3A_662 = arith.cmpi ne, %rem3A_660, %ne3A_661 : i32
      %and3A_663 = arith.andi %ne3A_659, %ne3A_662 : i1
      %sub3A_664 = arith.constant 1 : i32
      %sub3A_665 = arith.subi %div3A_644, %sub3A_664 : i32
      %select_n3A_666 = arith.select %and3A_663, %sub3A_665, %div3A_644 : i32
      %jit3A_667 = arith.constant 8 : i32
      %eq3A_668 = arith.constant 0 : i32
      %eq3A_669 = arith.cmpi eq, %jit3A_667, %eq3A_668 : i32
      %jit3A_670 = arith.constant 1 : i32
      %select_n3A_671 = arith.select %eq3A_669, %jit3A_670, %jit3A_667 : i32
      %rem3A_672 = arith.remsi %add3A_642, %select_n3A_671 : i32
      %ne3A_673 = arith.constant 0 : i32
      %ne3A_674 = arith.cmpi ne, %rem3A_672, %ne3A_673 : i32
      %lt3A_675 = arith.constant 0 : i32
      %lt3A_676 = arith.cmpi slt, %rem3A_672, %lt3A_675 : i32
      %lt3A_677 = arith.constant 0 : i32
      %lt3A_678 = arith.cmpi slt, %select_n3A_671, %lt3A_677 : i32
      %ne3A_679 = arith.xori %lt3A_676, %lt3A_678 : i1
      %and3A_680 = arith.andi %ne3A_679, %ne3A_674 : i1
      %add3A_681 = arith.addi %rem3A_672, %select_n3A_671 : i32
      %select_n3A_682 = arith.select %and3A_680, %add3A_681, %rem3A_672 : i32
      %dma_wait3A_683 = arith.constant 7 : i32
      %dma_wait3A_684 = arith.constant 0 : i32
      %dma_wait3A_685 = arith.constant 0 : i32
      %dma_wait3A_686 = tpu.memref_slice %arg6[%dma_wait3A_683, %dma_wait3A_684, %dma_wait3A_685] : memref<8x128x64xf32, #tpu.memory_space<vmem>> -> memref<1x128x64xf32, #tpu.memory_space<vmem>>
      %dma_wait3A_687 = tpu.memref_squeeze %dma_wait3A_686 : memref<1x128x64xf32, #tpu.memory_space<vmem>> -> memref<128x64xf32, #tpu.memory_space<vmem>>
      %dma_wait3A_688 = arith.constant 0 : i32
      %dma_wait3A_689 = tpu.memref_slice %arg5[%select_n3A_666, %select_n3A_682, %dma_wait3A_688] : memref<25x8x128xi32, #tpu.memory_space<vmem>> -> memref<1x1x128xi32, #tpu.memory_space<vmem>>
      %dma_wait3A_690 = tpu.memref_squeeze %dma_wait3A_689 : memref<1x1x128xi32, #tpu.memory_space<vmem>> -> memref<128xi32, #tpu.memory_space<vmem>>
      %dma_wait3A_691 = arith.constant 0 : i32
      %dma_wait3A_692 = arith.constant 0 : i32
      %dma_wait3A_693 = tpu.memref_slice %arg3[%dma_wait3A_691, %dma_wait3A_692] : memref<1000000x64xf32, #tpu.memory_space<hbm>> -> memref<1000000x64xf32, #tpu.memory_space<hbm>>
      tpu.wait_indirect_dma semaphore(%arg14 : memref<!tpu.dma_semaphore, #tpu.memory_space<semaphore_mem>>) src(%dma_wait3A_693 : memref<1000000x64xf32, #tpu.memory_space<hbm>>) dst(%dma_wait3A_687 : memref<128x64xf32, #tpu.memory_space<vmem>>)
      %add3A_694 = arith.constant 0 : i32
      %add3A_695 = arith.addi %mul3A_481, %add3A_694 : i32
      %mul3A_696 = arith.constant 16 : i32
      %mul3A_697 = arith.muli %add3A_695, %mul3A_696 : i32
      %add3A_698 = arith.addi %mul3A_697, %select_n3A : i32
      %mul3A_699 = arith.constant 64 : i32
      %mul3A_700 = arith.muli %mul3A_699, %select_n3A_30 : i32
      %dma_start3A_701 = arith.constant 4 : i32
      %dma_start3A_702 = arith.constant 0 : i32
      %dma_start3A_703 = arith.constant 0 : i32
      %dma_start3A_704 = tpu.memref_slice %arg6[%dma_start3A_701, %dma_start3A_702, %dma_start3A_703] : memref<8x128x64xf32, #tpu.memory_space<vmem>> -> memref<1x128x64xf32, #tpu.memory_space<vmem>>
      %dma_start3A_705 = tpu.memref_squeeze %dma_start3A_704 : memref<1x128x64xf32, #tpu.memory_space<vmem>> -> memref<128x64xf32, #tpu.memory_space<vmem>>
      %dma_start3A_706 = arith.constant 0 : i32
      %dma_start3A_707 = tpu.memref_slice %arg4[%add3A_698, %dma_start3A_706, %mul3A_700] : memref<3200x128x128xf32, #tpu.memory_space<hbm>> -> memref<1x128x64xf32, #tpu.memory_space<hbm>>
      %dma_start3A_708 = tpu.memref_squeeze %dma_start3A_707 : memref<1x128x64xf32, #tpu.memory_space<hbm>> -> memref<128x64xf32, #tpu.memory_space<hbm>>
      %dma_start3A_709 = arith.constant 0 : i32
      %dma_start3A_710 = tpu.memref_slice %arg4[%add3A_698, %dma_start3A_709, %mul3A_700] : memref<3200x128x128xf32, #tpu.memory_space<hbm>> -> memref<1x128x64xf32, #tpu.memory_space<hbm>>
      %dma_start3A_711 = tpu.memref_squeeze %dma_start3A_710 : memref<1x128x64xf32, #tpu.memory_space<hbm>> -> memref<128x64xf32, #tpu.memory_space<hbm>>
      %dma_start3A_712 = arith.constant 0 : i32
      %dma_start3A_713 = arith.constant 0 : i32
      %dma_start3A_714 = tpu.memref_slice %arg6[%dma_start3A_701, %dma_start3A_712, %dma_start3A_713] : memref<8x128x64xf32, #tpu.memory_space<vmem>> -> memref<1x128x64xf32, #tpu.memory_space<vmem>>
      %dma_start3A_715 = tpu.memref_squeeze %dma_start3A_714 : memref<1x128x64xf32, #tpu.memory_space<vmem>> -> memref<128x64xf32, #tpu.memory_space<vmem>>
      tpu.enqueue_dma source(%dma_start3A_715 : memref<128x64xf32, #tpu.memory_space<vmem>>) target(%dma_start3A_711 : memref<128x64xf32, #tpu.memory_space<hbm>>) target_semaphore(%arg19 : memref<!tpu.dma_semaphore, #tpu.memory_space<semaphore_mem>>)
      %add3A_716 = arith.constant 1 : i32
      %add3A_717 = arith.addi %mul3A_481, %add3A_716 : i32
      %mul3A_718 = arith.constant 16 : i32
      %mul3A_719 = arith.muli %add3A_717, %mul3A_718 : i32
      %add3A_720 = arith.addi %mul3A_719, %select_n3A : i32
      %mul3A_721 = arith.constant 64 : i32
      %mul3A_722 = arith.muli %mul3A_721, %select_n3A_30 : i32
      %dma_start3A_723 = arith.constant 5 : i32
      %dma_start3A_724 = arith.constant 0 : i32
      %dma_start3A_725 = arith.constant 0 : i32
      %dma_start3A_726 = tpu.memref_slice %arg6[%dma_start3A_723, %dma_start3A_724, %dma_start3A_725] : memref<8x128x64xf32, #tpu.memory_space<vmem>> -> memref<1x128x64xf32, #tpu.memory_space<vmem>>
      %dma_start3A_727 = tpu.memref_squeeze %dma_start3A_726 : memref<1x128x64xf32, #tpu.memory_space<vmem>> -> memref<128x64xf32, #tpu.memory_space<vmem>>
      %dma_start3A_728 = arith.constant 0 : i32
      %dma_start3A_729 = tpu.memref_slice %arg4[%add3A_720, %dma_start3A_728, %mul3A_722] : memref<3200x128x128xf32, #tpu.memory_space<hbm>> -> memref<1x128x64xf32, #tpu.memory_space<hbm>>
      %dma_start3A_730 = tpu.memref_squeeze %dma_start3A_729 : memref<1x128x64xf32, #tpu.memory_space<hbm>> -> memref<128x64xf32, #tpu.memory_space<hbm>>
      %dma_start3A_731 = arith.constant 0 : i32
      %dma_start3A_732 = tpu.memref_slice %arg4[%add3A_720, %dma_start3A_731, %mul3A_722] : memref<3200x128x128xf32, #tpu.memory_space<hbm>> -> memref<1x128x64xf32, #tpu.memory_space<hbm>>
      %dma_start3A_733 = tpu.memref_squeeze %dma_start3A_732 : memref<1x128x64xf32, #tpu.memory_space<hbm>> -> memref<128x64xf32, #tpu.memory_space<hbm>>
      %dma_start3A_734 = arith.constant 0 : i32
      %dma_start3A_735 = arith.constant 0 : i32
      %dma_start3A_736 = tpu.memref_slice %arg6[%dma_start3A_723, %dma_start3A_734, %dma_start3A_735] : memref<8x128x64xf32, #tpu.memory_space<vmem>> -> memref<1x128x64xf32, #tpu.memory_space<vmem>>
      %dma_start3A_737 = tpu.memref_squeeze %dma_start3A_736 : memref<1x128x64xf32, #tpu.memory_space<vmem>> -> memref<128x64xf32, #tpu.memory_space<vmem>>
      tpu.enqueue_dma source(%dma_start3A_737 : memref<128x64xf32, #tpu.memory_space<vmem>>) target(%dma_start3A_733 : memref<128x64xf32, #tpu.memory_space<hbm>>) target_semaphore(%arg20 : memref<!tpu.dma_semaphore, #tpu.memory_space<semaphore_mem>>)
      %add3A_738 = arith.constant 2 : i32
      %add3A_739 = arith.addi %mul3A_481, %add3A_738 : i32
      %mul3A_740 = arith.constant 16 : i32
      %mul3A_741 = arith.muli %add3A_739, %mul3A_740 : i32
      %add3A_742 = arith.addi %mul3A_741, %select_n3A : i32
      %mul3A_743 = arith.constant 64 : i32
      %mul3A_744 = arith.muli %mul3A_743, %select_n3A_30 : i32
      %dma_start3A_745 = arith.constant 6 : i32
      %dma_start3A_746 = arith.constant 0 : i32
      %dma_start3A_747 = arith.constant 0 : i32
      %dma_start3A_748 = tpu.memref_slice %arg6[%dma_start3A_745, %dma_start3A_746, %dma_start3A_747] : memref<8x128x64xf32, #tpu.memory_space<vmem>> -> memref<1x128x64xf32, #tpu.memory_space<vmem>>
      %dma_start3A_749 = tpu.memref_squeeze %dma_start3A_748 : memref<1x128x64xf32, #tpu.memory_space<vmem>> -> memref<128x64xf32, #tpu.memory_space<vmem>>
      %dma_start3A_750 = arith.constant 0 : i32
      %dma_start3A_751 = tpu.memref_slice %arg4[%add3A_742, %dma_start3A_750, %mul3A_744] : memref<3200x128x128xf32, #tpu.memory_space<hbm>> -> memref<1x128x64xf32, #tpu.memory_space<hbm>>
      %dma_start3A_752 = tpu.memref_squeeze %dma_start3A_751 : memref<1x128x64xf32, #tpu.memory_space<hbm>> -> memref<128x64xf32, #tpu.memory_space<hbm>>
      %dma_start3A_753 = arith.constant 0 : i32
      %dma_start3A_754 = tpu.memref_slice %arg4[%add3A_742, %dma_start3A_753, %mul3A_744] : memref<3200x128x128xf32, #tpu.memory_space<hbm>> -> memref<1x128x64xf32, #tpu.memory_space<hbm>>
      %dma_start3A_755 = tpu.memref_squeeze %dma_start3A_754 : memref<1x128x64xf32, #tpu.memory_space<hbm>> -> memref<128x64xf32, #tpu.memory_space<hbm>>
      %dma_start3A_756 = arith.constant 0 : i32
      %dma_start3A_757 = arith.constant 0 : i32
      %dma_start3A_758 = tpu.memref_slice %arg6[%dma_start3A_745, %dma_start3A_756, %dma_start3A_757] : memref<8x128x64xf32, #tpu.memory_space<vmem>> -> memref<1x128x64xf32, #tpu.memory_space<vmem>>
      %dma_start3A_759 = tpu.memref_squeeze %dma_start3A_758 : memref<1x128x64xf32, #tpu.memory_space<vmem>> -> memref<128x64xf32, #tpu.memory_space<vmem>>
      tpu.enqueue_dma source(%dma_start3A_759 : memref<128x64xf32, #tpu.memory_space<vmem>>) target(%dma_start3A_755 : memref<128x64xf32, #tpu.memory_space<hbm>>) target_semaphore(%arg21 : memref<!tpu.dma_semaphore, #tpu.memory_space<semaphore_mem>>)
      %add3A_760 = arith.constant 3 : i32
      %add3A_761 = arith.addi %mul3A_481, %add3A_760 : i32
      %mul3A_762 = arith.constant 16 : i32
      %mul3A_763 = arith.muli %add3A_761, %mul3A_762 : i32
      %add3A_764 = arith.addi %mul3A_763, %select_n3A : i32
      %mul3A_765 = arith.constant 64 : i32
      %mul3A_766 = arith.muli %mul3A_765, %select_n3A_30 : i32
      %dma_start3A_767 = arith.constant 7 : i32
      %dma_start3A_768 = arith.constant 0 : i32
      %dma_start3A_769 = arith.constant 0 : i32
      %dma_start3A_770 = tpu.memref_slice %arg6[%dma_start3A_767, %dma_start3A_768, %dma_start3A_769] : memref<8x128x64xf32, #tpu.memory_space<vmem>> -> memref<1x128x64xf32, #tpu.memory_space<vmem>>
      %dma_start3A_771 = tpu.memref_squeeze %dma_start3A_770 : memref<1x128x64xf32, #tpu.memory_space<vmem>> -> memref<128x64xf32, #tpu.memory_space<vmem>>
      %dma_start3A_772 = arith.constant 0 : i32
      %dma_start3A_773 = tpu.memref_slice %arg4[%add3A_764, %dma_start3A_772, %mul3A_766] : memref<3200x128x128xf32, #tpu.memory_space<hbm>> -> memref<1x128x64xf32, #tpu.memory_space<hbm>>
      %dma_start3A_774 = tpu.memref_squeeze %dma_start3A_773 : memref<1x128x64xf32, #tpu.memory_space<hbm>> -> memref<128x64xf32, #tpu.memory_space<hbm>>
      %dma_start3A_775 = arith.constant 0 : i32
      %dma_start3A_776 = tpu.memref_slice %arg4[%add3A_764, %dma_start3A_775, %mul3A_766] : memref<3200x128x128xf32, #tpu.memory_space<hbm>> -> memref<1x128x64xf32, #tpu.memory_space<hbm>>
      %dma_start3A_777 = tpu.memref_squeeze %dma_start3A_776 : memref<1x128x64xf32, #tpu.memory_space<hbm>> -> memref<128x64xf32, #tpu.memory_space<hbm>>
      %dma_start3A_778 = arith.constant 0 : i32
      %dma_start3A_779 = arith.constant 0 : i32
      %dma_start3A_780 = tpu.memref_slice %arg6[%dma_start3A_767, %dma_start3A_778, %dma_start3A_779] : memref<8x128x64xf32, #tpu.memory_space<vmem>> -> memref<1x128x64xf32, #tpu.memory_space<vmem>>
      %dma_start3A_781 = tpu.memref_squeeze %dma_start3A_780 : memref<1x128x64xf32, #tpu.memory_space<vmem>> -> memref<128x64xf32, #tpu.memory_space<vmem>>
      tpu.enqueue_dma source(%dma_start3A_781 : memref<128x64xf32, #tpu.memory_space<vmem>>) target(%dma_start3A_777 : memref<128x64xf32, #tpu.memory_space<hbm>>) target_semaphore(%arg22 : memref<!tpu.dma_semaphore, #tpu.memory_space<semaphore_mem>>)
      %ge3A_782 = arith.constant 1 : i32
      %ge3A_783 = arith.cmpi sge, %add3A_479, %ge3A_782 : i32
      %convert_element_type3A_784 = arith.extui %ge3A_783 : i1 to i32
      %cond3A_785 = arith.constant 0 : i32
      %cond3A_786 = arith.cmpi ne, %convert_element_type3A_784, %cond3A_785 : i32
      scf.if %cond3A_786 {
        %sub3A_792 = arith.constant 4 : i32
        %sub3A_793 = arith.subi %mul3A_481, %sub3A_792 : i32
        %add3A_794 = arith.constant 0 : i32
        %add3A_795 = arith.addi %sub3A_793, %add3A_794 : i32
        %mul3A_796 = arith.constant 16 : i32
        %mul3A_797 = arith.muli %add3A_795, %mul3A_796 : i32
        %add3A_798 = arith.addi %mul3A_797, %select_n3A : i32
        %mul3A_799 = arith.constant 64 : i32
        %mul3A_800 = arith.muli %mul3A_799, %select_n3A_30 : i32
        %dma_wait3A_801 = arith.constant 0 : i32
        %dma_wait3A_802 = arith.constant 0 : i32
        %dma_wait3A_803 = arith.constant 0 : i32
        %dma_wait3A_804 = tpu.memref_slice %arg6[%dma_wait3A_801, %dma_wait3A_802, %dma_wait3A_803] : memref<8x128x64xf32, #tpu.memory_space<vmem>> -> memref<1x128x64xf32, #tpu.memory_space<vmem>>
        %dma_wait3A_805 = tpu.memref_squeeze %dma_wait3A_804 : memref<1x128x64xf32, #tpu.memory_space<vmem>> -> memref<128x64xf32, #tpu.memory_space<vmem>>
        %dma_wait3A_806 = arith.constant 0 : i32
        %dma_wait3A_807 = tpu.memref_slice %arg4[%add3A_798, %dma_wait3A_806, %mul3A_800] : memref<3200x128x128xf32, #tpu.memory_space<hbm>> -> memref<1x128x64xf32, #tpu.memory_space<hbm>>
        %dma_wait3A_808 = tpu.memref_squeeze %dma_wait3A_807 : memref<1x128x64xf32, #tpu.memory_space<hbm>> -> memref<128x64xf32, #tpu.memory_space<hbm>>
        %dma_wait3A_809 = arith.constant 0 : i32
        %dma_wait3A_810 = tpu.memref_slice %arg4[%add3A_798, %dma_wait3A_809, %mul3A_800] : memref<3200x128x128xf32, #tpu.memory_space<hbm>> -> memref<1x128x64xf32, #tpu.memory_space<hbm>>
        %dma_wait3A_811 = tpu.memref_squeeze %dma_wait3A_810 : memref<1x128x64xf32, #tpu.memory_space<hbm>> -> memref<128x64xf32, #tpu.memory_space<hbm>>
        %dma_wait3A_812 = arith.constant 0 : i32
        %dma_wait3A_813 = arith.constant 0 : i32
        %dma_wait3A_814 = tpu.memref_slice %arg6[%dma_wait3A_801, %dma_wait3A_812, %dma_wait3A_813] : memref<8x128x64xf32, #tpu.memory_space<vmem>> -> memref<1x128x64xf32, #tpu.memory_space<vmem>>
        %dma_wait3A_815 = tpu.memref_squeeze %dma_wait3A_814 : memref<1x128x64xf32, #tpu.memory_space<vmem>> -> memref<128x64xf32, #tpu.memory_space<vmem>>
        tpu.wait_dma2 semaphore(%arg15 : memref<!tpu.dma_semaphore, #tpu.memory_space<semaphore_mem>>) src(%dma_wait3A_815 : memref<128x64xf32, #tpu.memory_space<vmem>>) dst(%dma_wait3A_811 : memref<128x64xf32, #tpu.memory_space<hbm>>)
        %sub3A_816 = arith.constant 4 : i32
        %sub3A_817 = arith.subi %mul3A_481, %sub3A_816 : i32
        %add3A_818 = arith.constant 1 : i32
        %add3A_819 = arith.addi %sub3A_817, %add3A_818 : i32
        %mul3A_820 = arith.constant 16 : i32
        %mul3A_821 = arith.muli %add3A_819, %mul3A_820 : i32
        %add3A_822 = arith.addi %mul3A_821, %select_n3A : i32
        %mul3A_823 = arith.constant 64 : i32
        %mul3A_824 = arith.muli %mul3A_823, %select_n3A_30 : i32
        %dma_wait3A_825 = arith.constant 1 : i32
        %dma_wait3A_826 = arith.constant 0 : i32
        %dma_wait3A_827 = arith.constant 0 : i32
        %dma_wait3A_828 = tpu.memref_slice %arg6[%dma_wait3A_825, %dma_wait3A_826, %dma_wait3A_827] : memref<8x128x64xf32, #tpu.memory_space<vmem>> -> memref<1x128x64xf32, #tpu.memory_space<vmem>>
        %dma_wait3A_829 = tpu.memref_squeeze %dma_wait3A_828 : memref<1x128x64xf32, #tpu.memory_space<vmem>> -> memref<128x64xf32, #tpu.memory_space<vmem>>
        %dma_wait3A_830 = arith.constant 0 : i32
        %dma_wait3A_831 = tpu.memref_slice %arg4[%add3A_822, %dma_wait3A_830, %mul3A_824] : memref<3200x128x128xf32, #tpu.memory_space<hbm>> -> memref<1x128x64xf32, #tpu.memory_space<hbm>>
        %dma_wait3A_832 = tpu.memref_squeeze %dma_wait3A_831 : memref<1x128x64xf32, #tpu.memory_space<hbm>> -> memref<128x64xf32, #tpu.memory_space<hbm>>
        %dma_wait3A_833 = arith.constant 0 : i32
        %dma_wait3A_834 = tpu.memref_slice %arg4[%add3A_822, %dma_wait3A_833, %mul3A_824] : memref<3200x128x128xf32, #tpu.memory_space<hbm>> -> memref<1x128x64xf32, #tpu.memory_space<hbm>>
        %dma_wait3A_835 = tpu.memref_squeeze %dma_wait3A_834 : memref<1x128x64xf32, #tpu.memory_space<hbm>> -> memref<128x64xf32, #tpu.memory_space<hbm>>
        %dma_wait3A_836 = arith.constant 0 : i32
        %dma_wait3A_837 = arith.constant 0 : i32
        %dma_wait3A_838 = tpu.memref_slice %arg6[%dma_wait3A_825, %dma_wait3A_836, %dma_wait3A_837] : memref<8x128x64xf32, #tpu.memory_space<vmem>> -> memref<1x128x64xf32, #tpu.memory_space<vmem>>
        %dma_wait3A_839 = tpu.memref_squeeze %dma_wait3A_838 : memref<1x128x64xf32, #tpu.memory_space<vmem>> -> memref<128x64xf32, #tpu.memory_space<vmem>>
        tpu.wait_dma2 semaphore(%arg16 : memref<!tpu.dma_semaphore, #tpu.memory_space<semaphore_mem>>) src(%dma_wait3A_839 : memref<128x64xf32, #tpu.memory_space<vmem>>) dst(%dma_wait3A_835 : memref<128x64xf32, #tpu.memory_space<hbm>>)
        %sub3A_840 = arith.constant 4 : i32
        %sub3A_841 = arith.subi %mul3A_481, %sub3A_840 : i32
        %add3A_842 = arith.constant 2 : i32
        %add3A_843 = arith.addi %sub3A_841, %add3A_842 : i32
        %mul3A_844 = arith.constant 16 : i32
        %mul3A_845 = arith.muli %add3A_843, %mul3A_844 : i32
        %add3A_846 = arith.addi %mul3A_845, %select_n3A : i32
        %mul3A_847 = arith.constant 64 : i32
        %mul3A_848 = arith.muli %mul3A_847, %select_n3A_30 : i32
        %dma_wait3A_849 = arith.constant 2 : i32
        %dma_wait3A_850 = arith.constant 0 : i32
        %dma_wait3A_851 = arith.constant 0 : i32
        %dma_wait3A_852 = tpu.memref_slice %arg6[%dma_wait3A_849, %dma_wait3A_850, %dma_wait3A_851] : memref<8x128x64xf32, #tpu.memory_space<vmem>> -> memref<1x128x64xf32, #tpu.memory_space<vmem>>
        %dma_wait3A_853 = tpu.memref_squeeze %dma_wait3A_852 : memref<1x128x64xf32, #tpu.memory_space<vmem>> -> memref<128x64xf32, #tpu.memory_space<vmem>>
        %dma_wait3A_854 = arith.constant 0 : i32
        %dma_wait3A_855 = tpu.memref_slice %arg4[%add3A_846, %dma_wait3A_854, %mul3A_848] : memref<3200x128x128xf32, #tpu.memory_space<hbm>> -> memref<1x128x64xf32, #tpu.memory_space<hbm>>
        %dma_wait3A_856 = tpu.memref_squeeze %dma_wait3A_855 : memref<1x128x64xf32, #tpu.memory_space<hbm>> -> memref<128x64xf32, #tpu.memory_space<hbm>>
        %dma_wait3A_857 = arith.constant 0 : i32
        %dma_wait3A_858 = tpu.memref_slice %arg4[%add3A_846, %dma_wait3A_857, %mul3A_848] : memref<3200x128x128xf32, #tpu.memory_space<hbm>> -> memref<1x128x64xf32, #tpu.memory_space<hbm>>
        %dma_wait3A_859 = tpu.memref_squeeze %dma_wait3A_858 : memref<1x128x64xf32, #tpu.memory_space<hbm>> -> memref<128x64xf32, #tpu.memory_space<hbm>>
        %dma_wait3A_860 = arith.constant 0 : i32
        %dma_wait3A_861 = arith.constant 0 : i32
        %dma_wait3A_862 = tpu.memref_slice %arg6[%dma_wait3A_849, %dma_wait3A_860, %dma_wait3A_861] : memref<8x128x64xf32, #tpu.memory_space<vmem>> -> memref<1x128x64xf32, #tpu.memory_space<vmem>>
        %dma_wait3A_863 = tpu.memref_squeeze %dma_wait3A_862 : memref<1x128x64xf32, #tpu.memory_space<vmem>> -> memref<128x64xf32, #tpu.memory_space<vmem>>
        tpu.wait_dma2 semaphore(%arg17 : memref<!tpu.dma_semaphore, #tpu.memory_space<semaphore_mem>>) src(%dma_wait3A_863 : memref<128x64xf32, #tpu.memory_space<vmem>>) dst(%dma_wait3A_859 : memref<128x64xf32, #tpu.memory_space<hbm>>)
        %sub3A_864 = arith.constant 4 : i32
        %sub3A_865 = arith.subi %mul3A_481, %sub3A_864 : i32
        %add3A_866 = arith.constant 3 : i32
        %add3A_867 = arith.addi %sub3A_865, %add3A_866 : i32
        %mul3A_868 = arith.constant 16 : i32
        %mul3A_869 = arith.muli %add3A_867, %mul3A_868 : i32
        %add3A_870 = arith.addi %mul3A_869, %select_n3A : i32
        %mul3A_871 = arith.constant 64 : i32
        %mul3A_872 = arith.muli %mul3A_871, %select_n3A_30 : i32
        %dma_wait3A_873 = arith.constant 3 : i32
        %dma_wait3A_874 = arith.constant 0 : i32
        %dma_wait3A_875 = arith.constant 0 : i32
        %dma_wait3A_876 = tpu.memref_slice %arg6[%dma_wait3A_873, %dma_wait3A_874, %dma_wait3A_875] : memref<8x128x64xf32, #tpu.memory_space<vmem>> -> memref<1x128x64xf32, #tpu.memory_space<vmem>>
        %dma_wait3A_877 = tpu.memref_squeeze %dma_wait3A_876 : memref<1x128x64xf32, #tpu.memory_space<vmem>> -> memref<128x64xf32, #tpu.memory_space<vmem>>
        %dma_wait3A_878 = arith.constant 0 : i32
        %dma_wait3A_879 = tpu.memref_slice %arg4[%add3A_870, %dma_wait3A_878, %mul3A_872] : memref<3200x128x128xf32, #tpu.memory_space<hbm>> -> memref<1x128x64xf32, #tpu.memory_space<hbm>>
        %dma_wait3A_880 = tpu.memref_squeeze %dma_wait3A_879 : memref<1x128x64xf32, #tpu.memory_space<hbm>> -> memref<128x64xf32, #tpu.memory_space<hbm>>
        %dma_wait3A_881 = arith.constant 0 : i32
        %dma_wait3A_882 = tpu.memref_slice %arg4[%add3A_870, %dma_wait3A_881, %mul3A_872] : memref<3200x128x128xf32, #tpu.memory_space<hbm>> -> memref<1x128x64xf32, #tpu.memory_space<hbm>>
        %dma_wait3A_883 = tpu.memref_squeeze %dma_wait3A_882 : memref<1x128x64xf32, #tpu.memory_space<hbm>> -> memref<128x64xf32, #tpu.memory_space<hbm>>
        %dma_wait3A_884 = arith.constant 0 : i32
        %dma_wait3A_885 = arith.constant 0 : i32
        %dma_wait3A_886 = tpu.memref_slice %arg6[%dma_wait3A_873, %dma_wait3A_884, %dma_wait3A_885] : memref<8x128x64xf32, #tpu.memory_space<vmem>> -> memref<1x128x64xf32, #tpu.memory_space<vmem>>
        %dma_wait3A_887 = tpu.memref_squeeze %dma_wait3A_886 : memref<1x128x64xf32, #tpu.memory_space<vmem>> -> memref<128x64xf32, #tpu.memory_space<vmem>>
        tpu.wait_dma2 semaphore(%arg18 : memref<!tpu.dma_semaphore, #tpu.memory_space<semaphore_mem>>) src(%dma_wait3A_887 : memref<128x64xf32, #tpu.memory_space<vmem>>) dst(%dma_wait3A_883 : memref<128x64xf32, #tpu.memory_space<hbm>>)
      } else {
      }
      %lt3A_787 = arith.constant 49 : i32
      %lt3A_788 = arith.cmpi slt, %add3A_479, %lt3A_787 : i32
      %convert_element_type3A_789 = arith.extui %lt3A_788 : i1 to i32
      %cond3A_790 = arith.constant 0 : i32
      %cond3A_791 = arith.cmpi ne, %convert_element_type3A_789, %cond3A_790 : i32
      scf.if %cond3A_791 {
        %add3A_792 = arith.constant 4 : i32
        %add3A_793 = arith.addi %mul3A_481, %add3A_792 : i32
        %add3A_794 = arith.constant 0 : i32
        %add3A_795 = arith.addi %add3A_793, %add3A_794 : i32
        %jit3A_796 = arith.constant 8 : i32
        %div3A_797 = arith.divsi %add3A_795, %jit3A_796 : i32
        %sign3A_798 = arith.constant 0 : i32
        %sign3A_799 = arith.cmpi sgt, %add3A_795, %sign3A_798 : i32
        %sign3A_800 = arith.extui %sign3A_799 : i1 to i32
        %sign3A_801 = arith.constant 0 : i32
        %sign3A_802 = arith.cmpi slt, %add3A_795, %sign3A_801 : i32
        %sign3A_803 = arith.extui %sign3A_802 : i1 to i32
        %sign3A_804 = arith.subi %sign3A_800, %sign3A_803 : i32
        %sign3A_805 = arith.constant 0 : i32
        %sign3A_806 = arith.cmpi sgt, %jit3A_796, %sign3A_805 : i32
        %sign3A_807 = arith.extui %sign3A_806 : i1 to i32
        %sign3A_808 = arith.constant 0 : i32
        %sign3A_809 = arith.cmpi slt, %jit3A_796, %sign3A_808 : i32
        %sign3A_810 = arith.extui %sign3A_809 : i1 to i32
        %sign3A_811 = arith.subi %sign3A_807, %sign3A_810 : i32
        %ne3A_812 = arith.cmpi ne, %sign3A_804, %sign3A_811 : i32
        %rem3A_813 = arith.remsi %add3A_795, %jit3A_796 : i32
        %ne3A_814 = arith.constant 0 : i32
        %ne3A_815 = arith.cmpi ne, %rem3A_813, %ne3A_814 : i32
        %and3A_816 = arith.andi %ne3A_812, %ne3A_815 : i1
        %sub3A_817 = arith.constant 1 : i32
        %sub3A_818 = arith.subi %div3A_797, %sub3A_817 : i32
        %select_n3A_819 = arith.select %and3A_816, %sub3A_818, %div3A_797 : i32
        %jit3A_820 = arith.constant 8 : i32
        %eq3A_821 = arith.constant 0 : i32
        %eq3A_822 = arith.cmpi eq, %jit3A_820, %eq3A_821 : i32
        %jit3A_823 = arith.constant 1 : i32
        %select_n3A_824 = arith.select %eq3A_822, %jit3A_823, %jit3A_820 : i32
        %rem3A_825 = arith.remsi %add3A_795, %select_n3A_824 : i32
        %ne3A_826 = arith.constant 0 : i32
        %ne3A_827 = arith.cmpi ne, %rem3A_825, %ne3A_826 : i32
        %lt3A_828 = arith.constant 0 : i32
        %lt3A_829 = arith.cmpi slt, %rem3A_825, %lt3A_828 : i32
        %lt3A_830 = arith.constant 0 : i32
        %lt3A_831 = arith.cmpi slt, %select_n3A_824, %lt3A_830 : i32
        %ne3A_832 = arith.xori %lt3A_829, %lt3A_831 : i1
        %and3A_833 = arith.andi %ne3A_832, %ne3A_827 : i1
        %add3A_834 = arith.addi %rem3A_825, %select_n3A_824 : i32
        %select_n3A_835 = arith.select %and3A_833, %add3A_834, %rem3A_825 : i32
        %dma_start3A_836 = arith.constant 0 : i32
        %dma_start3A_837 = arith.constant 0 : i32
        %dma_start3A_838 = arith.constant 0 : i32
        %dma_start3A_839 = tpu.memref_slice %arg6[%dma_start3A_836, %dma_start3A_837, %dma_start3A_838] : memref<8x128x64xf32, #tpu.memory_space<vmem>> -> memref<1x128x64xf32, #tpu.memory_space<vmem>>
        %dma_start3A_840 = tpu.memref_squeeze %dma_start3A_839 : memref<1x128x64xf32, #tpu.memory_space<vmem>> -> memref<128x64xf32, #tpu.memory_space<vmem>>
        %dma_start3A_841 = arith.constant 0 : i32
        %dma_start3A_842 = tpu.memref_slice %arg5[%select_n3A_819, %select_n3A_835, %dma_start3A_841] : memref<25x8x128xi32, #tpu.memory_space<vmem>> -> memref<1x1x128xi32, #tpu.memory_space<vmem>>
        %dma_start3A_843 = tpu.memref_squeeze %dma_start3A_842 : memref<1x1x128xi32, #tpu.memory_space<vmem>> -> memref<128xi32, #tpu.memory_space<vmem>>
        %dma_start3A_844 = arith.constant 0 : i32
        %dma_start3A_845 = arith.constant 0 : i32
        %dma_start3A_846 = tpu.memref_slice %arg3[%dma_start3A_844, %dma_start3A_845] : memref<1000000x64xf32, #tpu.memory_space<hbm>> -> memref<1000000x64xf32, #tpu.memory_space<hbm>>
        tpu.enqueue_indirect_dma source(%dma_start3A_846 : memref<1000000x64xf32, #tpu.memory_space<hbm>>) target(%dma_start3A_840 : memref<128x64xf32, #tpu.memory_space<vmem>>) offsets(%dma_start3A_843 : memref<128xi32, #tpu.memory_space<vmem>>) semaphore(%arg7 : memref<!tpu.dma_semaphore, #tpu.memory_space<semaphore_mem>>)
        %add3A_847 = arith.constant 4 : i32
        %add3A_848 = arith.addi %mul3A_481, %add3A_847 : i32
        %add3A_849 = arith.constant 1 : i32
        %add3A_850 = arith.addi %add3A_848, %add3A_849 : i32
        %jit3A_851 = arith.constant 8 : i32
        %div3A_852 = arith.divsi %add3A_850, %jit3A_851 : i32
        %sign3A_853 = arith.constant 0 : i32
        %sign3A_854 = arith.cmpi sgt, %add3A_850, %sign3A_853 : i32
        %sign3A_855 = arith.extui %sign3A_854 : i1 to i32
        %sign3A_856 = arith.constant 0 : i32
        %sign3A_857 = arith.cmpi slt, %add3A_850, %sign3A_856 : i32
        %sign3A_858 = arith.extui %sign3A_857 : i1 to i32
        %sign3A_859 = arith.subi %sign3A_855, %sign3A_858 : i32
        %sign3A_860 = arith.constant 0 : i32
        %sign3A_861 = arith.cmpi sgt, %jit3A_851, %sign3A_860 : i32
        %sign3A_862 = arith.extui %sign3A_861 : i1 to i32
        %sign3A_863 = arith.constant 0 : i32
        %sign3A_864 = arith.cmpi slt, %jit3A_851, %sign3A_863 : i32
        %sign3A_865 = arith.extui %sign3A_864 : i1 to i32
        %sign3A_866 = arith.subi %sign3A_862, %sign3A_865 : i32
        %ne3A_867 = arith.cmpi ne, %sign3A_859, %sign3A_866 : i32
        %rem3A_868 = arith.remsi %add3A_850, %jit3A_851 : i32
        %ne3A_869 = arith.constant 0 : i32
        %ne3A_870 = arith.cmpi ne, %rem3A_868, %ne3A_869 : i32
        %and3A_871 = arith.andi %ne3A_867, %ne3A_870 : i1
        %sub3A_872 = arith.constant 1 : i32
        %sub3A_873 = arith.subi %div3A_852, %sub3A_872 : i32
        %select_n3A_874 = arith.select %and3A_871, %sub3A_873, %div3A_852 : i32
        %jit3A_875 = arith.constant 8 : i32
        %eq3A_876 = arith.constant 0 : i32
        %eq3A_877 = arith.cmpi eq, %jit3A_875, %eq3A_876 : i32
        %jit3A_878 = arith.constant 1 : i32
        %select_n3A_879 = arith.select %eq3A_877, %jit3A_878, %jit3A_875 : i32
        %rem3A_880 = arith.remsi %add3A_850, %select_n3A_879 : i32
        %ne3A_881 = arith.constant 0 : i32
        %ne3A_882 = arith.cmpi ne, %rem3A_880, %ne3A_881 : i32
        %lt3A_883 = arith.constant 0 : i32
        %lt3A_884 = arith.cmpi slt, %rem3A_880, %lt3A_883 : i32
        %lt3A_885 = arith.constant 0 : i32
        %lt3A_886 = arith.cmpi slt, %select_n3A_879, %lt3A_885 : i32
        %ne3A_887 = arith.xori %lt3A_884, %lt3A_886 : i1
        %and3A_888 = arith.andi %ne3A_887, %ne3A_882 : i1
        %add3A_889 = arith.addi %rem3A_880, %select_n3A_879 : i32
        %select_n3A_890 = arith.select %and3A_888, %add3A_889, %rem3A_880 : i32
        %dma_start3A_891 = arith.constant 1 : i32
        %dma_start3A_892 = arith.constant 0 : i32
        %dma_start3A_893 = arith.constant 0 : i32
        %dma_start3A_894 = tpu.memref_slice %arg6[%dma_start3A_891, %dma_start3A_892, %dma_start3A_893] : memref<8x128x64xf32, #tpu.memory_space<vmem>> -> memref<1x128x64xf32, #tpu.memory_space<vmem>>
        %dma_start3A_895 = tpu.memref_squeeze %dma_start3A_894 : memref<1x128x64xf32, #tpu.memory_space<vmem>> -> memref<128x64xf32, #tpu.memory_space<vmem>>
        %dma_start3A_896 = arith.constant 0 : i32
        %dma_start3A_897 = tpu.memref_slice %arg5[%select_n3A_874, %select_n3A_890, %dma_start3A_896] : memref<25x8x128xi32, #tpu.memory_space<vmem>> -> memref<1x1x128xi32, #tpu.memory_space<vmem>>
        %dma_start3A_898 = tpu.memref_squeeze %dma_start3A_897 : memref<1x1x128xi32, #tpu.memory_space<vmem>> -> memref<128xi32, #tpu.memory_space<vmem>>
        %dma_start3A_899 = arith.constant 0 : i32
        %dma_start3A_900 = arith.constant 0 : i32
        %dma_start3A_901 = tpu.memref_slice %arg3[%dma_start3A_899, %dma_start3A_900] : memref<1000000x64xf32, #tpu.memory_space<hbm>> -> memref<1000000x64xf32, #tpu.memory_space<hbm>>
        tpu.enqueue_indirect_dma source(%dma_start3A_901 : memref<1000000x64xf32, #tpu.memory_space<hbm>>) target(%dma_start3A_895 : memref<128x64xf32, #tpu.memory_space<vmem>>) offsets(%dma_start3A_898 : memref<128xi32, #tpu.memory_space<vmem>>) semaphore(%arg8 : memref<!tpu.dma_semaphore, #tpu.memory_space<semaphore_mem>>)
        %add3A_902 = arith.constant 4 : i32
        %add3A_903 = arith.addi %mul3A_481, %add3A_902 : i32
        %add3A_904 = arith.constant 2 : i32
        %add3A_905 = arith.addi %add3A_903, %add3A_904 : i32
        %jit3A_906 = arith.constant 8 : i32
        %div3A_907 = arith.divsi %add3A_905, %jit3A_906 : i32
        %sign3A_908 = arith.constant 0 : i32
        %sign3A_909 = arith.cmpi sgt, %add3A_905, %sign3A_908 : i32
        %sign3A_910 = arith.extui %sign3A_909 : i1 to i32
        %sign3A_911 = arith.constant 0 : i32
        %sign3A_912 = arith.cmpi slt, %add3A_905, %sign3A_911 : i32
        %sign3A_913 = arith.extui %sign3A_912 : i1 to i32
        %sign3A_914 = arith.subi %sign3A_910, %sign3A_913 : i32
        %sign3A_915 = arith.constant 0 : i32
        %sign3A_916 = arith.cmpi sgt, %jit3A_906, %sign3A_915 : i32
        %sign3A_917 = arith.extui %sign3A_916 : i1 to i32
        %sign3A_918 = arith.constant 0 : i32
        %sign3A_919 = arith.cmpi slt, %jit3A_906, %sign3A_918 : i32
        %sign3A_920 = arith.extui %sign3A_919 : i1 to i32
        %sign3A_921 = arith.subi %sign3A_917, %sign3A_920 : i32
        %ne3A_922 = arith.cmpi ne, %sign3A_914, %sign3A_921 : i32
        %rem3A_923 = arith.remsi %add3A_905, %jit3A_906 : i32
        %ne3A_924 = arith.constant 0 : i32
        %ne3A_925 = arith.cmpi ne, %rem3A_923, %ne3A_924 : i32
        %and3A_926 = arith.andi %ne3A_922, %ne3A_925 : i1
        %sub3A_927 = arith.constant 1 : i32
        %sub3A_928 = arith.subi %div3A_907, %sub3A_927 : i32
        %select_n3A_929 = arith.select %and3A_926, %sub3A_928, %div3A_907 : i32
        %jit3A_930 = arith.constant 8 : i32
        %eq3A_931 = arith.constant 0 : i32
        %eq3A_932 = arith.cmpi eq, %jit3A_930, %eq3A_931 : i32
        %jit3A_933 = arith.constant 1 : i32
        %select_n3A_934 = arith.select %eq3A_932, %jit3A_933, %jit3A_930 : i32
        %rem3A_935 = arith.remsi %add3A_905, %select_n3A_934 : i32
        %ne3A_936 = arith.constant 0 : i32
        %ne3A_937 = arith.cmpi ne, %rem3A_935, %ne3A_936 : i32
        %lt3A_938 = arith.constant 0 : i32
        %lt3A_939 = arith.cmpi slt, %rem3A_935, %lt3A_938 : i32
        %lt3A_940 = arith.constant 0 : i32
        %lt3A_941 = arith.cmpi slt, %select_n3A_934, %lt3A_940 : i32
        %ne3A_942 = arith.xori %lt3A_939, %lt3A_941 : i1
        %and3A_943 = arith.andi %ne3A_942, %ne3A_937 : i1
        %add3A_944 = arith.addi %rem3A_935, %select_n3A_934 : i32
        %select_n3A_945 = arith.select %and3A_943, %add3A_944, %rem3A_935 : i32
        %dma_start3A_946 = arith.constant 2 : i32
        %dma_start3A_947 = arith.constant 0 : i32
        %dma_start3A_948 = arith.constant 0 : i32
        %dma_start3A_949 = tpu.memref_slice %arg6[%dma_start3A_946, %dma_start3A_947, %dma_start3A_948] : memref<8x128x64xf32, #tpu.memory_space<vmem>> -> memref<1x128x64xf32, #tpu.memory_space<vmem>>
        %dma_start3A_950 = tpu.memref_squeeze %dma_start3A_949 : memref<1x128x64xf32, #tpu.memory_space<vmem>> -> memref<128x64xf32, #tpu.memory_space<vmem>>
        %dma_start3A_951 = arith.constant 0 : i32
        %dma_start3A_952 = tpu.memref_slice %arg5[%select_n3A_929, %select_n3A_945, %dma_start3A_951] : memref<25x8x128xi32, #tpu.memory_space<vmem>> -> memref<1x1x128xi32, #tpu.memory_space<vmem>>
        %dma_start3A_953 = tpu.memref_squeeze %dma_start3A_952 : memref<1x1x128xi32, #tpu.memory_space<vmem>> -> memref<128xi32, #tpu.memory_space<vmem>>
        %dma_start3A_954 = arith.constant 0 : i32
        %dma_start3A_955 = arith.constant 0 : i32
        %dma_start3A_956 = tpu.memref_slice %arg3[%dma_start3A_954, %dma_start3A_955] : memref<1000000x64xf32, #tpu.memory_space<hbm>> -> memref<1000000x64xf32, #tpu.memory_space<hbm>>
        tpu.enqueue_indirect_dma source(%dma_start3A_956 : memref<1000000x64xf32, #tpu.memory_space<hbm>>) target(%dma_start3A_950 : memref<128x64xf32, #tpu.memory_space<vmem>>) offsets(%dma_start3A_953 : memref<128xi32, #tpu.memory_space<vmem>>) semaphore(%arg9 : memref<!tpu.dma_semaphore, #tpu.memory_space<semaphore_mem>>)
        %add3A_957 = arith.constant 4 : i32
        %add3A_958 = arith.addi %mul3A_481, %add3A_957 : i32
        %add3A_959 = arith.constant 3 : i32
        %add3A_960 = arith.addi %add3A_958, %add3A_959 : i32
        %jit3A_961 = arith.constant 8 : i32
        %div3A_962 = arith.divsi %add3A_960, %jit3A_961 : i32
        %sign3A_963 = arith.constant 0 : i32
        %sign3A_964 = arith.cmpi sgt, %add3A_960, %sign3A_963 : i32
        %sign3A_965 = arith.extui %sign3A_964 : i1 to i32
        %sign3A_966 = arith.constant 0 : i32
        %sign3A_967 = arith.cmpi slt, %add3A_960, %sign3A_966 : i32
        %sign3A_968 = arith.extui %sign3A_967 : i1 to i32
        %sign3A_969 = arith.subi %sign3A_965, %sign3A_968 : i32
        %sign3A_970 = arith.constant 0 : i32
        %sign3A_971 = arith.cmpi sgt, %jit3A_961, %sign3A_970 : i32
        %sign3A_972 = arith.extui %sign3A_971 : i1 to i32
        %sign3A_973 = arith.constant 0 : i32
        %sign3A_974 = arith.cmpi slt, %jit3A_961, %sign3A_973 : i32
        %sign3A_975 = arith.extui %sign3A_974 : i1 to i32
        %sign3A_976 = arith.subi %sign3A_972, %sign3A_975 : i32
        %ne3A_977 = arith.cmpi ne, %sign3A_969, %sign3A_976 : i32
        %rem3A_978 = arith.remsi %add3A_960, %jit3A_961 : i32
        %ne3A_979 = arith.constant 0 : i32
        %ne3A_980 = arith.cmpi ne, %rem3A_978, %ne3A_979 : i32
        %and3A_981 = arith.andi %ne3A_977, %ne3A_980 : i1
        %sub3A_982 = arith.constant 1 : i32
        %sub3A_983 = arith.subi %div3A_962, %sub3A_982 : i32
        %select_n3A_984 = arith.select %and3A_981, %sub3A_983, %div3A_962 : i32
        %jit3A_985 = arith.constant 8 : i32
        %eq3A_986 = arith.constant 0 : i32
        %eq3A_987 = arith.cmpi eq, %jit3A_985, %eq3A_986 : i32
        %jit3A_988 = arith.constant 1 : i32
        %select_n3A_989 = arith.select %eq3A_987, %jit3A_988, %jit3A_985 : i32
        %rem3A_990 = arith.remsi %add3A_960, %select_n3A_989 : i32
        %ne3A_991 = arith.constant 0 : i32
        %ne3A_992 = arith.cmpi ne, %rem3A_990, %ne3A_991 : i32
        %lt3A_993 = arith.constant 0 : i32
        %lt3A_994 = arith.cmpi slt, %rem3A_990, %lt3A_993 : i32
        %lt3A_995 = arith.constant 0 : i32
        %lt3A_996 = arith.cmpi slt, %select_n3A_989, %lt3A_995 : i32
        %ne3A_997 = arith.xori %lt3A_994, %lt3A_996 : i1
        %and3A_998 = arith.andi %ne3A_997, %ne3A_992 : i1
        %add3A_999 = arith.addi %rem3A_990, %select_n3A_989 : i32
        %select_n3A_1000 = arith.select %and3A_998, %add3A_999, %rem3A_990 : i32
        %dma_start3A_1001 = arith.constant 3 : i32
        %dma_start3A_1002 = arith.constant 0 : i32
        %dma_start3A_1003 = arith.constant 0 : i32
        %dma_start3A_1004 = tpu.memref_slice %arg6[%dma_start3A_1001, %dma_start3A_1002, %dma_start3A_1003] : memref<8x128x64xf32, #tpu.memory_space<vmem>> -> memref<1x128x64xf32, #tpu.memory_space<vmem>>
        %dma_start3A_1005 = tpu.memref_squeeze %dma_start3A_1004 : memref<1x128x64xf32, #tpu.memory_space<vmem>> -> memref<128x64xf32, #tpu.memory_space<vmem>>
        %dma_start3A_1006 = arith.constant 0 : i32
        %dma_start3A_1007 = tpu.memref_slice %arg5[%select_n3A_984, %select_n3A_1000, %dma_start3A_1006] : memref<25x8x128xi32, #tpu.memory_space<vmem>> -> memref<1x1x128xi32, #tpu.memory_space<vmem>>
        %dma_start3A_1008 = tpu.memref_squeeze %dma_start3A_1007 : memref<1x1x128xi32, #tpu.memory_space<vmem>> -> memref<128xi32, #tpu.memory_space<vmem>>
        %dma_start3A_1009 = arith.constant 0 : i32
        %dma_start3A_1010 = arith.constant 0 : i32
        %dma_start3A_1011 = tpu.memref_slice %arg3[%dma_start3A_1009, %dma_start3A_1010] : memref<1000000x64xf32, #tpu.memory_space<hbm>> -> memref<1000000x64xf32, #tpu.memory_space<hbm>>
        tpu.enqueue_indirect_dma source(%dma_start3A_1011 : memref<1000000x64xf32, #tpu.memory_space<hbm>>) target(%dma_start3A_1005 : memref<128x64xf32, #tpu.memory_space<vmem>>) offsets(%dma_start3A_1008 : memref<128xi32, #tpu.memory_space<vmem>>) semaphore(%arg10 : memref<!tpu.dma_semaphore, #tpu.memory_space<semaphore_mem>>)
      } else {
      }
    }
    %scan3A_86 = arith.constant 25 : i32
    %add3A_87 = arith.constant 3136 : i32
    %add3A_88 = arith.addi %add3A_87, %select_n3A : i32
    %mul3A_89 = arith.constant 64 : i32
    %mul3A_90 = arith.muli %mul3A_89, %select_n3A_30 : i32
    %dma_wait3A = arith.constant 4 : i32
    %dma_wait3A_91 = arith.constant 0 : i32
    %dma_wait3A_92 = arith.constant 0 : i32
    %dma_wait3A_93 = tpu.memref_slice %arg6[%dma_wait3A, %dma_wait3A_91, %dma_wait3A_92] : memref<8x128x64xf32, #tpu.memory_space<vmem>> -> memref<1x128x64xf32, #tpu.memory_space<vmem>>
    %dma_wait3A_94 = tpu.memref_squeeze %dma_wait3A_93 : memref<1x128x64xf32, #tpu.memory_space<vmem>> -> memref<128x64xf32, #tpu.memory_space<vmem>>
    %dma_wait3A_95 = arith.constant 0 : i32
    %dma_wait3A_96 = tpu.memref_slice %arg4[%add3A_88, %dma_wait3A_95, %mul3A_90] : memref<3200x128x128xf32, #tpu.memory_space<hbm>> -> memref<1x128x64xf32, #tpu.memory_space<hbm>>
    %dma_wait3A_97 = tpu.memref_squeeze %dma_wait3A_96 : memref<1x128x64xf32, #tpu.memory_space<hbm>> -> memref<128x64xf32, #tpu.memory_space<hbm>>
    %dma_wait3A_98 = arith.constant 0 : i32
    %dma_wait3A_99 = tpu.memref_slice %arg4[%add3A_88, %dma_wait3A_98, %mul3A_90] : memref<3200x128x128xf32, #tpu.memory_space<hbm>> -> memref<1x128x64xf32, #tpu.memory_space<hbm>>
    %dma_wait3A_100 = tpu.memref_squeeze %dma_wait3A_99 : memref<1x128x64xf32, #tpu.memory_space<hbm>> -> memref<128x64xf32, #tpu.memory_space<hbm>>
    %dma_wait3A_101 = arith.constant 0 : i32
    %dma_wait3A_102 = arith.constant 0 : i32
    %dma_wait3A_103 = tpu.memref_slice %arg6[%dma_wait3A, %dma_wait3A_101, %dma_wait3A_102] : memref<8x128x64xf32, #tpu.memory_space<vmem>> -> memref<1x128x64xf32, #tpu.memory_space<vmem>>
    %dma_wait3A_104 = tpu.memref_squeeze %dma_wait3A_103 : memref<1x128x64xf32, #tpu.memory_space<vmem>> -> memref<128x64xf32, #tpu.memory_space<vmem>>
    tpu.wait_dma2 semaphore(%arg19 : memref<!tpu.dma_semaphore, #tpu.memory_space<semaphore_mem>>) src(%dma_wait3A_104 : memref<128x64xf32, #tpu.memory_space<vmem>>) dst(%dma_wait3A_100 : memref<128x64xf32, #tpu.memory_space<hbm>>)
    %add3A_105 = arith.constant 3152 : i32
    %add3A_106 = arith.addi %add3A_105, %select_n3A : i32
    %mul3A_107 = arith.constant 64 : i32
    %mul3A_108 = arith.muli %mul3A_107, %select_n3A_30 : i32
    %dma_wait3A_109 = arith.constant 5 : i32
    %dma_wait3A_110 = arith.constant 0 : i32
    %dma_wait3A_111 = arith.constant 0 : i32
    %dma_wait3A_112 = tpu.memref_slice %arg6[%dma_wait3A_109, %dma_wait3A_110, %dma_wait3A_111] : memref<8x128x64xf32, #tpu.memory_space<vmem>> -> memref<1x128x64xf32, #tpu.memory_space<vmem>>
    %dma_wait3A_113 = tpu.memref_squeeze %dma_wait3A_112 : memref<1x128x64xf32, #tpu.memory_space<vmem>> -> memref<128x64xf32, #tpu.memory_space<vmem>>
    %dma_wait3A_114 = arith.constant 0 : i32
    %dma_wait3A_115 = tpu.memref_slice %arg4[%add3A_106, %dma_wait3A_114, %mul3A_108] : memref<3200x128x128xf32, #tpu.memory_space<hbm>> -> memref<1x128x64xf32, #tpu.memory_space<hbm>>
    %dma_wait3A_116 = tpu.memref_squeeze %dma_wait3A_115 : memref<1x128x64xf32, #tpu.memory_space<hbm>> -> memref<128x64xf32, #tpu.memory_space<hbm>>
    %dma_wait3A_117 = arith.constant 0 : i32
    %dma_wait3A_118 = tpu.memref_slice %arg4[%add3A_106, %dma_wait3A_117, %mul3A_108] : memref<3200x128x128xf32, #tpu.memory_space<hbm>> -> memref<1x128x64xf32, #tpu.memory_space<hbm>>
    %dma_wait3A_119 = tpu.memref_squeeze %dma_wait3A_118 : memref<1x128x64xf32, #tpu.memory_space<hbm>> -> memref<128x64xf32, #tpu.memory_space<hbm>>
    %dma_wait3A_120 = arith.constant 0 : i32
    %dma_wait3A_121 = arith.constant 0 : i32
    %dma_wait3A_122 = tpu.memref_slice %arg6[%dma_wait3A_109, %dma_wait3A_120, %dma_wait3A_121] : memref<8x128x64xf32, #tpu.memory_space<vmem>> -> memref<1x128x64xf32, #tpu.memory_space<vmem>>
    %dma_wait3A_123 = tpu.memref_squeeze %dma_wait3A_122 : memref<1x128x64xf32, #tpu.memory_space<vmem>> -> memref<128x64xf32, #tpu.memory_space<vmem>>
    tpu.wait_dma2 semaphore(%arg20 : memref<!tpu.dma_semaphore, #tpu.memory_space<semaphore_mem>>) src(%dma_wait3A_123 : memref<128x64xf32, #tpu.memory_space<vmem>>) dst(%dma_wait3A_119 : memref<128x64xf32, #tpu.memory_space<hbm>>)
    %add3A_124 = arith.constant 3168 : i32
    %add3A_125 = arith.addi %add3A_124, %select_n3A : i32
    %mul3A_126 = arith.constant 64 : i32
    %mul3A_127 = arith.muli %mul3A_126, %select_n3A_30 : i32
    %dma_wait3A_128 = arith.constant 6 : i32
    %dma_wait3A_129 = arith.constant 0 : i32
    %dma_wait3A_130 = arith.constant 0 : i32
    %dma_wait3A_131 = tpu.memref_slice %arg6[%dma_wait3A_128, %dma_wait3A_129, %dma_wait3A_130] : memref<8x128x64xf32, #tpu.memory_space<vmem>> -> memref<1x128x64xf32, #tpu.memory_space<vmem>>
    %dma_wait3A_132 = tpu.memref_squeeze %dma_wait3A_131 : memref<1x128x64xf32, #tpu.memory_space<vmem>> -> memref<128x64xf32, #tpu.memory_space<vmem>>
    %dma_wait3A_133 = arith.constant 0 : i32
    %dma_wait3A_134 = tpu.memref_slice %arg4[%add3A_125, %dma_wait3A_133, %mul3A_127] : memref<3200x128x128xf32, #tpu.memory_space<hbm>> -> memref<1x128x64xf32, #tpu.memory_space<hbm>>
    %dma_wait3A_135 = tpu.memref_squeeze %dma_wait3A_134 : memref<1x128x64xf32, #tpu.memory_space<hbm>> -> memref<128x64xf32, #tpu.memory_space<hbm>>
    %dma_wait3A_136 = arith.constant 0 : i32
    %dma_wait3A_137 = tpu.memref_slice %arg4[%add3A_125, %dma_wait3A_136, %mul3A_127] : memref<3200x128x128xf32, #tpu.memory_space<hbm>> -> memref<1x128x64xf32, #tpu.memory_space<hbm>>
    %dma_wait3A_138 = tpu.memref_squeeze %dma_wait3A_137 : memref<1x128x64xf32, #tpu.memory_space<hbm>> -> memref<128x64xf32, #tpu.memory_space<hbm>>
    %dma_wait3A_139 = arith.constant 0 : i32
    %dma_wait3A_140 = arith.constant 0 : i32
    %dma_wait3A_141 = tpu.memref_slice %arg6[%dma_wait3A_128, %dma_wait3A_139, %dma_wait3A_140] : memref<8x128x64xf32, #tpu.memory_space<vmem>> -> memref<1x128x64xf32, #tpu.memory_space<vmem>>
    %dma_wait3A_142 = tpu.memref_squeeze %dma_wait3A_141 : memref<1x128x64xf32, #tpu.memory_space<vmem>> -> memref<128x64xf32, #tpu.memory_space<vmem>>
    tpu.wait_dma2 semaphore(%arg21 : memref<!tpu.dma_semaphore, #tpu.memory_space<semaphore_mem>>) src(%dma_wait3A_142 : memref<128x64xf32, #tpu.memory_space<vmem>>) dst(%dma_wait3A_138 : memref<128x64xf32, #tpu.memory_space<hbm>>)
    %add3A_143 = arith.constant 3184 : i32
    %add3A_144 = arith.addi %add3A_143, %select_n3A : i32
    %mul3A_145 = arith.constant 64 : i32
    %mul3A_146 = arith.muli %mul3A_145, %select_n3A_30 : i32
    %dma_wait3A_147 = arith.constant 7 : i32
    %dma_wait3A_148 = arith.constant 0 : i32
    %dma_wait3A_149 = arith.constant 0 : i32
    %dma_wait3A_150 = tpu.memref_slice %arg6[%dma_wait3A_147, %dma_wait3A_148, %dma_wait3A_149] : memref<8x128x64xf32, #tpu.memory_space<vmem>> -> memref<1x128x64xf32, #tpu.memory_space<vmem>>
    %dma_wait3A_151 = tpu.memref_squeeze %dma_wait3A_150 : memref<1x128x64xf32, #tpu.memory_space<vmem>> -> memref<128x64xf32, #tpu.memory_space<vmem>>
    %dma_wait3A_152 = arith.constant 0 : i32
    %dma_wait3A_153 = tpu.memref_slice %arg4[%add3A_144, %dma_wait3A_152, %mul3A_146] : memref<3200x128x128xf32, #tpu.memory_space<hbm>> -> memref<1x128x64xf32, #tpu.memory_space<hbm>>
    %dma_wait3A_154 = tpu.memref_squeeze %dma_wait3A_153 : memref<1x128x64xf32, #tpu.memory_space<hbm>> -> memref<128x64xf32, #tpu.memory_space<hbm>>
    %dma_wait3A_155 = arith.constant 0 : i32
    %dma_wait3A_156 = tpu.memref_slice %arg4[%add3A_144, %dma_wait3A_155, %mul3A_146] : memref<3200x128x128xf32, #tpu.memory_space<hbm>> -> memref<1x128x64xf32, #tpu.memory_space<hbm>>
    %dma_wait3A_157 = tpu.memref_squeeze %dma_wait3A_156 : memref<1x128x64xf32, #tpu.memory_space<hbm>> -> memref<128x64xf32, #tpu.memory_space<hbm>>
    %dma_wait3A_158 = arith.constant 0 : i32
    %dma_wait3A_159 = arith.constant 0 : i32
    %dma_wait3A_160 = tpu.memref_slice %arg6[%dma_wait3A_147, %dma_wait3A_158, %dma_wait3A_159] : memref<8x128x64xf32, #tpu.memory_space<vmem>> -> memref<1x128x64xf32, #tpu.memory_space<vmem>>
    %dma_wait3A_161 = tpu.memref_squeeze %dma_wait3A_160 : memref<1x128x64xf32, #tpu.memory_space<vmem>> -> memref<128x64xf32, #tpu.memory_space<vmem>>
    tpu.wait_dma2 semaphore(%arg22 : memref<!tpu.dma_semaphore, #tpu.memory_space<semaphore_mem>>) src(%dma_wait3A_161 : memref<128x64xf32, #tpu.memory_space<vmem>>) dst(%dma_wait3A_157 : memref<128x64xf32, #tpu.memory_space<hbm>>)
    return
  }
}

module attributes {stable_mosaic.version = 14 : i64} {
  func.func @_tc_body(%arg0: i32, %arg1: memref<16x128x128xf32, #tpu.memory_space<vmem>>, %arg2: memref<1x8x32x8x128xf32, #tpu.memory_space<vmem>>) attributes {dimension_semantics = [#tpu.dimension_semantics<arbitrary>], iteration_bounds = array<i64: 200>, scalar_prefetch = 0 : i64, scratch_operands = 0 : i64, tpu.core_type = #tpu.core_type<tc>, window_params = [{transform_indices = @transform_0, window_bounds = array<i64: 16, 128, 128>}, {transform_indices = @transform_1, window_bounds = array<i64: 1, 8, 32, 8, 128>}]} {
    %get3A = arith.constant 0 : index
    %get3A_0 = arith.constant 0 : index
    %get3A_1 = arith.constant 0 : index
    %get3A_2 = vector.load %arg1[%get3A, %get3A_0, %get3A_1] : memref<16x128x128xf32, #tpu.memory_space<vmem>>, vector<1x128x128xf32>
    %get3A_3 = vector.shape_cast %get3A_2 : vector<1x128x128xf32> to vector<128x128xf32>
    %transpose3A = tpu.transpose %get3A_3, [1, 0] : vector<128x128xf32> -> vector<128x128xf32>
    %reshape3A = vector.shape_cast %transpose3A : vector<128x128xf32> to vector<2x8x8x128xf32>
    %slice3A = vector.extract_strided_slice %reshape3A {offsets = [0, 0, 0, 0], sizes = [1, 8, 8, 128], strides = [1, 1, 1, 1]} : vector<2x8x8x128xf32> to vector<1x8x8x128xf32>
    %squeeze3A = vector.shape_cast %slice3A : vector<1x8x8x128xf32> to vector<8x8x128xf32>
    %swap3A = arith.constant 0 : index
    %swap3A_4 = arith.constant 0 : index
    %swap3A_5 = arith.constant 0 : index
    %swap3A_6 = arith.constant 0 : index
    %swap3A_7 = arith.constant 0 : index
    %swap3A_8 = vector.load %arg2[%swap3A, %swap3A_4, %swap3A_5, %swap3A_6, %swap3A_7] : memref<1x8x32x8x128xf32, #tpu.memory_space<vmem>>, vector<1x8x1x8x128xf32>
    %swap3A_9 = vector.shape_cast %swap3A_8 : vector<1x8x1x8x128xf32> to vector<8x8x128xf32>
    %swap3A_10 = vector.shape_cast %squeeze3A : vector<8x8x128xf32> to vector<1x8x1x8x128xf32>
    tpu.vector_store %arg2[%swap3A, %swap3A_4, %swap3A_5, %swap3A_6, %swap3A_7], %swap3A_10 {strides = array<i32>} : memref<1x8x32x8x128xf32, #tpu.memory_space<vmem>>, vector<1x8x1x8x128xf32>,
    %slice3A_11 = vector.extract_strided_slice %reshape3A {offsets = [1, 0, 0, 0], sizes = [1, 8, 8, 128], strides = [1, 1, 1, 1]} : vector<2x8x8x128xf32> to vector<1x8x8x128xf32>
    %squeeze3A_12 = vector.shape_cast %slice3A_11 : vector<1x8x8x128xf32> to vector<8x8x128xf32>
    %swap3A_13 = arith.constant 0 : index
    %swap3A_14 = arith.constant 0 : index
    %swap3A_15 = arith.constant 1 : index
    %swap3A_16 = arith.constant 0 : index
    %swap3A_17 = arith.constant 0 : index
    %swap3A_18 = vector.load %arg2[%swap3A_13, %swap3A_14, %swap3A_15, %swap3A_16, %swap3A_17] : memref<1x8x32x8x128xf32, #tpu.memory_space<vmem>>, vector<1x8x1x8x128xf32>
    %swap3A_19 = vector.shape_cast %swap3A_18 : vector<1x8x1x8x128xf32> to vector<8x8x128xf32>
    %swap3A_20 = vector.shape_cast %squeeze3A_12 : vector<8x8x128xf32> to vector<1x8x1x8x128xf32>
    tpu.vector_store %arg2[%swap3A_13, %swap3A_14, %swap3A_15, %swap3A_16, %swap3A_17], %swap3A_20 {strides = array<i32>} : memref<1x8x32x8x128xf32, #tpu.memory_space<vmem>>, vector<1x8x1x8x128xf32>,
    %get3A_21 = arith.constant 1 : index
    %get3A_22 = arith.constant 0 : index
    %get3A_23 = arith.constant 0 : index
    %get3A_24 = vector.load %arg1[%get3A_21, %get3A_22, %get3A_23] : memref<16x128x128xf32, #tpu.memory_space<vmem>>, vector<1x128x128xf32>
    %get3A_25 = vector.shape_cast %get3A_24 : vector<1x128x128xf32> to vector<128x128xf32>
    %transpose3A_26 = tpu.transpose %get3A_25, [1, 0] : vector<128x128xf32> -> vector<128x128xf32>
    %reshape3A_27 = vector.shape_cast %transpose3A_26 : vector<128x128xf32> to vector<2x8x8x128xf32>
    %slice3A_28 = vector.extract_strided_slice %reshape3A_27 {offsets = [0, 0, 0, 0], sizes = [1, 8, 8, 128], strides = [1, 1, 1, 1]} : vector<2x8x8x128xf32> to vector<1x8x8x128xf32>
    %squeeze3A_29 = vector.shape_cast %slice3A_28 : vector<1x8x8x128xf32> to vector<8x8x128xf32>
    %swap3A_30 = arith.constant 0 : index
    %swap3A_31 = arith.constant 0 : index
    %swap3A_32 = arith.constant 2 : index
    %swap3A_33 = arith.constant 0 : index
    %swap3A_34 = arith.constant 0 : index
    %swap3A_35 = vector.load %arg2[%swap3A_30, %swap3A_31, %swap3A_32, %swap3A_33, %swap3A_34] : memref<1x8x32x8x128xf32, #tpu.memory_space<vmem>>, vector<1x8x1x8x128xf32>
    %swap3A_36 = vector.shape_cast %swap3A_35 : vector<1x8x1x8x128xf32> to vector<8x8x128xf32>
    %swap3A_37 = vector.shape_cast %squeeze3A_29 : vector<8x8x128xf32> to vector<1x8x1x8x128xf32>
    tpu.vector_store %arg2[%swap3A_30, %swap3A_31, %swap3A_32, %swap3A_33, %swap3A_34], %swap3A_37 {strides = array<i32>} : memref<1x8x32x8x128xf32, #tpu.memory_space<vmem>>, vector<1x8x1x8x128xf32>,
    %slice3A_38 = vector.extract_strided_slice %reshape3A_27 {offsets = [1, 0, 0, 0], sizes = [1, 8, 8, 128], strides = [1, 1, 1, 1]} : vector<2x8x8x128xf32> to vector<1x8x8x128xf32>
    %squeeze3A_39 = vector.shape_cast %slice3A_38 : vector<1x8x8x128xf32> to vector<8x8x128xf32>
    %swap3A_40 = arith.constant 0 : index
    %swap3A_41 = arith.constant 0 : index
    %swap3A_42 = arith.constant 3 : index
    %swap3A_43 = arith.constant 0 : index
    %swap3A_44 = arith.constant 0 : index
    %swap3A_45 = vector.load %arg2[%swap3A_40, %swap3A_41, %swap3A_42, %swap3A_43, %swap3A_44] : memref<1x8x32x8x128xf32, #tpu.memory_space<vmem>>, vector<1x8x1x8x128xf32>
    %swap3A_46 = vector.shape_cast %swap3A_45 : vector<1x8x1x8x128xf32> to vector<8x8x128xf32>
    %swap3A_47 = vector.shape_cast %squeeze3A_39 : vector<8x8x128xf32> to vector<1x8x1x8x128xf32>
    tpu.vector_store %arg2[%swap3A_40, %swap3A_41, %swap3A_42, %swap3A_43, %swap3A_44], %swap3A_47 {strides = array<i32>} : memref<1x8x32x8x128xf32, #tpu.memory_space<vmem>>, vector<1x8x1x8x128xf32>,
    %get3A_48 = arith.constant 2 : index
    %get3A_49 = arith.constant 0 : index
    %get3A_50 = arith.constant 0 : index
    %get3A_51 = vector.load %arg1[%get3A_48, %get3A_49, %get3A_50] : memref<16x128x128xf32, #tpu.memory_space<vmem>>, vector<1x128x128xf32>
    %get3A_52 = vector.shape_cast %get3A_51 : vector<1x128x128xf32> to vector<128x128xf32>
    %transpose3A_53 = tpu.transpose %get3A_52, [1, 0] : vector<128x128xf32> -> vector<128x128xf32>
    %reshape3A_54 = vector.shape_cast %transpose3A_53 : vector<128x128xf32> to vector<2x8x8x128xf32>
    %slice3A_55 = vector.extract_strided_slice %reshape3A_54 {offsets = [0, 0, 0, 0], sizes = [1, 8, 8, 128], strides = [1, 1, 1, 1]} : vector<2x8x8x128xf32> to vector<1x8x8x128xf32>
    %squeeze3A_56 = vector.shape_cast %slice3A_55 : vector<1x8x8x128xf32> to vector<8x8x128xf32>
    %swap3A_57 = arith.constant 0 : index
    %swap3A_58 = arith.constant 0 : index
    %swap3A_59 = arith.constant 4 : index
    %swap3A_60 = arith.constant 0 : index
    %swap3A_61 = arith.constant 0 : index
    %swap3A_62 = vector.load %arg2[%swap3A_57, %swap3A_58, %swap3A_59, %swap3A_60, %swap3A_61] : memref<1x8x32x8x128xf32, #tpu.memory_space<vmem>>, vector<1x8x1x8x128xf32>
    %swap3A_63 = vector.shape_cast %swap3A_62 : vector<1x8x1x8x128xf32> to vector<8x8x128xf32>
    %swap3A_64 = vector.shape_cast %squeeze3A_56 : vector<8x8x128xf32> to vector<1x8x1x8x128xf32>
    tpu.vector_store %arg2[%swap3A_57, %swap3A_58, %swap3A_59, %swap3A_60, %swap3A_61], %swap3A_64 {strides = array<i32>} : memref<1x8x32x8x128xf32, #tpu.memory_space<vmem>>, vector<1x8x1x8x128xf32>,
    %slice3A_65 = vector.extract_strided_slice %reshape3A_54 {offsets = [1, 0, 0, 0], sizes = [1, 8, 8, 128], strides = [1, 1, 1, 1]} : vector<2x8x8x128xf32> to vector<1x8x8x128xf32>
    %squeeze3A_66 = vector.shape_cast %slice3A_65 : vector<1x8x8x128xf32> to vector<8x8x128xf32>
    %swap3A_67 = arith.constant 0 : index
    %swap3A_68 = arith.constant 0 : index
    %swap3A_69 = arith.constant 5 : index
    %swap3A_70 = arith.constant 0 : index
    %swap3A_71 = arith.constant 0 : index
    %swap3A_72 = vector.load %arg2[%swap3A_67, %swap3A_68, %swap3A_69, %swap3A_70, %swap3A_71] : memref<1x8x32x8x128xf32, #tpu.memory_space<vmem>>, vector<1x8x1x8x128xf32>
    %swap3A_73 = vector.shape_cast %swap3A_72 : vector<1x8x1x8x128xf32> to vector<8x8x128xf32>
    %swap3A_74 = vector.shape_cast %squeeze3A_66 : vector<8x8x128xf32> to vector<1x8x1x8x128xf32>
    tpu.vector_store %arg2[%swap3A_67, %swap3A_68, %swap3A_69, %swap3A_70, %swap3A_71], %swap3A_74 {strides = array<i32>} : memref<1x8x32x8x128xf32, #tpu.memory_space<vmem>>, vector<1x8x1x8x128xf32>,
    %get3A_75 = arith.constant 3 : index
    %get3A_76 = arith.constant 0 : index
    %get3A_77 = arith.constant 0 : index
    %get3A_78 = vector.load %arg1[%get3A_75, %get3A_76, %get3A_77] : memref<16x128x128xf32, #tpu.memory_space<vmem>>, vector<1x128x128xf32>
    %get3A_79 = vector.shape_cast %get3A_78 : vector<1x128x128xf32> to vector<128x128xf32>
    %transpose3A_80 = tpu.transpose %get3A_79, [1, 0] : vector<128x128xf32> -> vector<128x128xf32>
    %reshape3A_81 = vector.shape_cast %transpose3A_80 : vector<128x128xf32> to vector<2x8x8x128xf32>
    %slice3A_82 = vector.extract_strided_slice %reshape3A_81 {offsets = [0, 0, 0, 0], sizes = [1, 8, 8, 128], strides = [1, 1, 1, 1]} : vector<2x8x8x128xf32> to vector<1x8x8x128xf32>
    %squeeze3A_83 = vector.shape_cast %slice3A_82 : vector<1x8x8x128xf32> to vector<8x8x128xf32>
    %swap3A_84 = arith.constant 0 : index
    %swap3A_85 = arith.constant 0 : index
    %swap3A_86 = arith.constant 6 : index
    %swap3A_87 = arith.constant 0 : index
    %swap3A_88 = arith.constant 0 : index
    %swap3A_89 = vector.load %arg2[%swap3A_84, %swap3A_85, %swap3A_86, %swap3A_87, %swap3A_88] : memref<1x8x32x8x128xf32, #tpu.memory_space<vmem>>, vector<1x8x1x8x128xf32>
    %swap3A_90 = vector.shape_cast %swap3A_89 : vector<1x8x1x8x128xf32> to vector<8x8x128xf32>
    %swap3A_91 = vector.shape_cast %squeeze3A_83 : vector<8x8x128xf32> to vector<1x8x1x8x128xf32>
    tpu.vector_store %arg2[%swap3A_84, %swap3A_85, %swap3A_86, %swap3A_87, %swap3A_88], %swap3A_91 {strides = array<i32>} : memref<1x8x32x8x128xf32, #tpu.memory_space<vmem>>, vector<1x8x1x8x128xf32>,
    %slice3A_92 = vector.extract_strided_slice %reshape3A_81 {offsets = [1, 0, 0, 0], sizes = [1, 8, 8, 128], strides = [1, 1, 1, 1]} : vector<2x8x8x128xf32> to vector<1x8x8x128xf32>
    %squeeze3A_93 = vector.shape_cast %slice3A_92 : vector<1x8x8x128xf32> to vector<8x8x128xf32>
    %swap3A_94 = arith.constant 0 : index
    %swap3A_95 = arith.constant 0 : index
    %swap3A_96 = arith.constant 7 : index
    %swap3A_97 = arith.constant 0 : index
    %swap3A_98 = arith.constant 0 : index
    %swap3A_99 = vector.load %arg2[%swap3A_94, %swap3A_95, %swap3A_96, %swap3A_97, %swap3A_98] : memref<1x8x32x8x128xf32, #tpu.memory_space<vmem>>, vector<1x8x1x8x128xf32>
    %swap3A_100 = vector.shape_cast %swap3A_99 : vector<1x8x1x8x128xf32> to vector<8x8x128xf32>
    %swap3A_101 = vector.shape_cast %squeeze3A_93 : vector<8x8x128xf32> to vector<1x8x1x8x128xf32>
    tpu.vector_store %arg2[%swap3A_94, %swap3A_95, %swap3A_96, %swap3A_97, %swap3A_98], %swap3A_101 {strides = array<i32>} : memref<1x8x32x8x128xf32, #tpu.memory_space<vmem>>, vector<1x8x1x8x128xf32>,
    %get3A_102 = arith.constant 4 : index
    %get3A_103 = arith.constant 0 : index
    %get3A_104 = arith.constant 0 : index
    %get3A_105 = vector.load %arg1[%get3A_102, %get3A_103, %get3A_104] : memref<16x128x128xf32, #tpu.memory_space<vmem>>, vector<1x128x128xf32>
    %get3A_106 = vector.shape_cast %get3A_105 : vector<1x128x128xf32> to vector<128x128xf32>
    %transpose3A_107 = tpu.transpose %get3A_106, [1, 0] : vector<128x128xf32> -> vector<128x128xf32>
    %reshape3A_108 = vector.shape_cast %transpose3A_107 : vector<128x128xf32> to vector<2x8x8x128xf32>
    %slice3A_109 = vector.extract_strided_slice %reshape3A_108 {offsets = [0, 0, 0, 0], sizes = [1, 8, 8, 128], strides = [1, 1, 1, 1]} : vector<2x8x8x128xf32> to vector<1x8x8x128xf32>
    %squeeze3A_110 = vector.shape_cast %slice3A_109 : vector<1x8x8x128xf32> to vector<8x8x128xf32>
    %swap3A_111 = arith.constant 0 : index
    %swap3A_112 = arith.constant 0 : index
    %swap3A_113 = arith.constant 8 : index
    %swap3A_114 = arith.constant 0 : index
    %swap3A_115 = arith.constant 0 : index
    %swap3A_116 = vector.load %arg2[%swap3A_111, %swap3A_112, %swap3A_113, %swap3A_114, %swap3A_115] : memref<1x8x32x8x128xf32, #tpu.memory_space<vmem>>, vector<1x8x1x8x128xf32>
    %swap3A_117 = vector.shape_cast %swap3A_116 : vector<1x8x1x8x128xf32> to vector<8x8x128xf32>
    %swap3A_118 = vector.shape_cast %squeeze3A_110 : vector<8x8x128xf32> to vector<1x8x1x8x128xf32>
    tpu.vector_store %arg2[%swap3A_111, %swap3A_112, %swap3A_113, %swap3A_114, %swap3A_115], %swap3A_118 {strides = array<i32>} : memref<1x8x32x8x128xf32, #tpu.memory_space<vmem>>, vector<1x8x1x8x128xf32>,
    %slice3A_119 = vector.extract_strided_slice %reshape3A_108 {offsets = [1, 0, 0, 0], sizes = [1, 8, 8, 128], strides = [1, 1, 1, 1]} : vector<2x8x8x128xf32> to vector<1x8x8x128xf32>
    %squeeze3A_120 = vector.shape_cast %slice3A_119 : vector<1x8x8x128xf32> to vector<8x8x128xf32>
    %swap3A_121 = arith.constant 0 : index
    %swap3A_122 = arith.constant 0 : index
    %swap3A_123 = arith.constant 9 : index
    %swap3A_124 = arith.constant 0 : index
    %swap3A_125 = arith.constant 0 : index
    %swap3A_126 = vector.load %arg2[%swap3A_121, %swap3A_122, %swap3A_123, %swap3A_124, %swap3A_125] : memref<1x8x32x8x128xf32, #tpu.memory_space<vmem>>, vector<1x8x1x8x128xf32>
    %swap3A_127 = vector.shape_cast %swap3A_126 : vector<1x8x1x8x128xf32> to vector<8x8x128xf32>
    %swap3A_128 = vector.shape_cast %squeeze3A_120 : vector<8x8x128xf32> to vector<1x8x1x8x128xf32>
    tpu.vector_store %arg2[%swap3A_121, %swap3A_122, %swap3A_123, %swap3A_124, %swap3A_125], %swap3A_128 {strides = array<i32>} : memref<1x8x32x8x128xf32, #tpu.memory_space<vmem>>, vector<1x8x1x8x128xf32>,
    %get3A_129 = arith.constant 5 : index
    %get3A_130 = arith.constant 0 : index
    %get3A_131 = arith.constant 0 : index
    %get3A_132 = vector.load %arg1[%get3A_129, %get3A_130, %get3A_131] : memref<16x128x128xf32, #tpu.memory_space<vmem>>, vector<1x128x128xf32>
    %get3A_133 = vector.shape_cast %get3A_132 : vector<1x128x128xf32> to vector<128x128xf32>
    %transpose3A_134 = tpu.transpose %get3A_133, [1, 0] : vector<128x128xf32> -> vector<128x128xf32>
    %reshape3A_135 = vector.shape_cast %transpose3A_134 : vector<128x128xf32> to vector<2x8x8x128xf32>
    %slice3A_136 = vector.extract_strided_slice %reshape3A_135 {offsets = [0, 0, 0, 0], sizes = [1, 8, 8, 128], strides = [1, 1, 1, 1]} : vector<2x8x8x128xf32> to vector<1x8x8x128xf32>
    %squeeze3A_137 = vector.shape_cast %slice3A_136 : vector<1x8x8x128xf32> to vector<8x8x128xf32>
    %swap3A_138 = arith.constant 0 : index
    %swap3A_139 = arith.constant 0 : index
    %swap3A_140 = arith.constant 10 : index
    %swap3A_141 = arith.constant 0 : index
    %swap3A_142 = arith.constant 0 : index
    %swap3A_143 = vector.load %arg2[%swap3A_138, %swap3A_139, %swap3A_140, %swap3A_141, %swap3A_142] : memref<1x8x32x8x128xf32, #tpu.memory_space<vmem>>, vector<1x8x1x8x128xf32>
    %swap3A_144 = vector.shape_cast %swap3A_143 : vector<1x8x1x8x128xf32> to vector<8x8x128xf32>
    %swap3A_145 = vector.shape_cast %squeeze3A_137 : vector<8x8x128xf32> to vector<1x8x1x8x128xf32>
    tpu.vector_store %arg2[%swap3A_138, %swap3A_139, %swap3A_140, %swap3A_141, %swap3A_142], %swap3A_145 {strides = array<i32>} : memref<1x8x32x8x128xf32, #tpu.memory_space<vmem>>, vector<1x8x1x8x128xf32>,
    %slice3A_146 = vector.extract_strided_slice %reshape3A_135 {offsets = [1, 0, 0, 0], sizes = [1, 8, 8, 128], strides = [1, 1, 1, 1]} : vector<2x8x8x128xf32> to vector<1x8x8x128xf32>
    %squeeze3A_147 = vector.shape_cast %slice3A_146 : vector<1x8x8x128xf32> to vector<8x8x128xf32>
    %swap3A_148 = arith.constant 0 : index
    %swap3A_149 = arith.constant 0 : index
    %swap3A_150 = arith.constant 11 : index
    %swap3A_151 = arith.constant 0 : index
    %swap3A_152 = arith.constant 0 : index
    %swap3A_153 = vector.load %arg2[%swap3A_148, %swap3A_149, %swap3A_150, %swap3A_151, %swap3A_152] : memref<1x8x32x8x128xf32, #tpu.memory_space<vmem>>, vector<1x8x1x8x128xf32>
    %swap3A_154 = vector.shape_cast %swap3A_153 : vector<1x8x1x8x128xf32> to vector<8x8x128xf32>
    %swap3A_155 = vector.shape_cast %squeeze3A_147 : vector<8x8x128xf32> to vector<1x8x1x8x128xf32>
    tpu.vector_store %arg2[%swap3A_148, %swap3A_149, %swap3A_150, %swap3A_151, %swap3A_152], %swap3A_155 {strides = array<i32>} : memref<1x8x32x8x128xf32, #tpu.memory_space<vmem>>, vector<1x8x1x8x128xf32>,
    %get3A_156 = arith.constant 6 : index
    %get3A_157 = arith.constant 0 : index
    %get3A_158 = arith.constant 0 : index
    %get3A_159 = vector.load %arg1[%get3A_156, %get3A_157, %get3A_158] : memref<16x128x128xf32, #tpu.memory_space<vmem>>, vector<1x128x128xf32>
    %get3A_160 = vector.shape_cast %get3A_159 : vector<1x128x128xf32> to vector<128x128xf32>
    %transpose3A_161 = tpu.transpose %get3A_160, [1, 0] : vector<128x128xf32> -> vector<128x128xf32>
    %reshape3A_162 = vector.shape_cast %transpose3A_161 : vector<128x128xf32> to vector<2x8x8x128xf32>
    %slice3A_163 = vector.extract_strided_slice %reshape3A_162 {offsets = [0, 0, 0, 0], sizes = [1, 8, 8, 128], strides = [1, 1, 1, 1]} : vector<2x8x8x128xf32> to vector<1x8x8x128xf32>
    %squeeze3A_164 = vector.shape_cast %slice3A_163 : vector<1x8x8x128xf32> to vector<8x8x128xf32>
    %swap3A_165 = arith.constant 0 : index
    %swap3A_166 = arith.constant 0 : index
    %swap3A_167 = arith.constant 12 : index
    %swap3A_168 = arith.constant 0 : index
    %swap3A_169 = arith.constant 0 : index
    %swap3A_170 = vector.load %arg2[%swap3A_165, %swap3A_166, %swap3A_167, %swap3A_168, %swap3A_169] : memref<1x8x32x8x128xf32, #tpu.memory_space<vmem>>, vector<1x8x1x8x128xf32>
    %swap3A_171 = vector.shape_cast %swap3A_170 : vector<1x8x1x8x128xf32> to vector<8x8x128xf32>
    %swap3A_172 = vector.shape_cast %squeeze3A_164 : vector<8x8x128xf32> to vector<1x8x1x8x128xf32>
    tpu.vector_store %arg2[%swap3A_165, %swap3A_166, %swap3A_167, %swap3A_168, %swap3A_169], %swap3A_172 {strides = array<i32>} : memref<1x8x32x8x128xf32, #tpu.memory_space<vmem>>, vector<1x8x1x8x128xf32>,
    %slice3A_173 = vector.extract_strided_slice %reshape3A_162 {offsets = [1, 0, 0, 0], sizes = [1, 8, 8, 128], strides = [1, 1, 1, 1]} : vector<2x8x8x128xf32> to vector<1x8x8x128xf32>
    %squeeze3A_174 = vector.shape_cast %slice3A_173 : vector<1x8x8x128xf32> to vector<8x8x128xf32>
    %swap3A_175 = arith.constant 0 : index
    %swap3A_176 = arith.constant 0 : index
    %swap3A_177 = arith.constant 13 : index
    %swap3A_178 = arith.constant 0 : index
    %swap3A_179 = arith.constant 0 : index
    %swap3A_180 = vector.load %arg2[%swap3A_175, %swap3A_176, %swap3A_177, %swap3A_178, %swap3A_179] : memref<1x8x32x8x128xf32, #tpu.memory_space<vmem>>, vector<1x8x1x8x128xf32>
    %swap3A_181 = vector.shape_cast %swap3A_180 : vector<1x8x1x8x128xf32> to vector<8x8x128xf32>
    %swap3A_182 = vector.shape_cast %squeeze3A_174 : vector<8x8x128xf32> to vector<1x8x1x8x128xf32>
    tpu.vector_store %arg2[%swap3A_175, %swap3A_176, %swap3A_177, %swap3A_178, %swap3A_179], %swap3A_182 {strides = array<i32>} : memref<1x8x32x8x128xf32, #tpu.memory_space<vmem>>, vector<1x8x1x8x128xf32>,
    %get3A_183 = arith.constant 7 : index
    %get3A_184 = arith.constant 0 : index
    %get3A_185 = arith.constant 0 : index
    %get3A_186 = vector.load %arg1[%get3A_183, %get3A_184, %get3A_185] : memref<16x128x128xf32, #tpu.memory_space<vmem>>, vector<1x128x128xf32>
    %get3A_187 = vector.shape_cast %get3A_186 : vector<1x128x128xf32> to vector<128x128xf32>
    %transpose3A_188 = tpu.transpose %get3A_187, [1, 0] : vector<128x128xf32> -> vector<128x128xf32>
    %reshape3A_189 = vector.shape_cast %transpose3A_188 : vector<128x128xf32> to vector<2x8x8x128xf32>
    %slice3A_190 = vector.extract_strided_slice %reshape3A_189 {offsets = [0, 0, 0, 0], sizes = [1, 8, 8, 128], strides = [1, 1, 1, 1]} : vector<2x8x8x128xf32> to vector<1x8x8x128xf32>
    %squeeze3A_191 = vector.shape_cast %slice3A_190 : vector<1x8x8x128xf32> to vector<8x8x128xf32>
    %swap3A_192 = arith.constant 0 : index
    %swap3A_193 = arith.constant 0 : index
    %swap3A_194 = arith.constant 14 : index
    %swap3A_195 = arith.constant 0 : index
    %swap3A_196 = arith.constant 0 : index
    %swap3A_197 = vector.load %arg2[%swap3A_192, %swap3A_193, %swap3A_194, %swap3A_195, %swap3A_196] : memref<1x8x32x8x128xf32, #tpu.memory_space<vmem>>, vector<1x8x1x8x128xf32>
    %swap3A_198 = vector.shape_cast %swap3A_197 : vector<1x8x1x8x128xf32> to vector<8x8x128xf32>
    %swap3A_199 = vector.shape_cast %squeeze3A_191 : vector<8x8x128xf32> to vector<1x8x1x8x128xf32>
    tpu.vector_store %arg2[%swap3A_192, %swap3A_193, %swap3A_194, %swap3A_195, %swap3A_196], %swap3A_199 {strides = array<i32>} : memref<1x8x32x8x128xf32, #tpu.memory_space<vmem>>, vector<1x8x1x8x128xf32>,
    %slice3A_200 = vector.extract_strided_slice %reshape3A_189 {offsets = [1, 0, 0, 0], sizes = [1, 8, 8, 128], strides = [1, 1, 1, 1]} : vector<2x8x8x128xf32> to vector<1x8x8x128xf32>
    %squeeze3A_201 = vector.shape_cast %slice3A_200 : vector<1x8x8x128xf32> to vector<8x8x128xf32>
    %swap3A_202 = arith.constant 0 : index
    %swap3A_203 = arith.constant 0 : index
    %swap3A_204 = arith.constant 15 : index
    %swap3A_205 = arith.constant 0 : index
    %swap3A_206 = arith.constant 0 : index
    %swap3A_207 = vector.load %arg2[%swap3A_202, %swap3A_203, %swap3A_204, %swap3A_205, %swap3A_206] : memref<1x8x32x8x128xf32, #tpu.memory_space<vmem>>, vector<1x8x1x8x128xf32>
    %swap3A_208 = vector.shape_cast %swap3A_207 : vector<1x8x1x8x128xf32> to vector<8x8x128xf32>
    %swap3A_209 = vector.shape_cast %squeeze3A_201 : vector<8x8x128xf32> to vector<1x8x1x8x128xf32>
    tpu.vector_store %arg2[%swap3A_202, %swap3A_203, %swap3A_204, %swap3A_205, %swap3A_206], %swap3A_209 {strides = array<i32>} : memref<1x8x32x8x128xf32, #tpu.memory_space<vmem>>, vector<1x8x1x8x128xf32>,
    %get3A_210 = arith.constant 8 : index
    %get3A_211 = arith.constant 0 : index
    %get3A_212 = arith.constant 0 : index
    %get3A_213 = vector.load %arg1[%get3A_210, %get3A_211, %get3A_212] : memref<16x128x128xf32, #tpu.memory_space<vmem>>, vector<1x128x128xf32>
    %get3A_214 = vector.shape_cast %get3A_213 : vector<1x128x128xf32> to vector<128x128xf32>
    %transpose3A_215 = tpu.transpose %get3A_214, [1, 0] : vector<128x128xf32> -> vector<128x128xf32>
    %reshape3A_216 = vector.shape_cast %transpose3A_215 : vector<128x128xf32> to vector<2x8x8x128xf32>
    %slice3A_217 = vector.extract_strided_slice %reshape3A_216 {offsets = [0, 0, 0, 0], sizes = [1, 8, 8, 128], strides = [1, 1, 1, 1]} : vector<2x8x8x128xf32> to vector<1x8x8x128xf32>
    %squeeze3A_218 = vector.shape_cast %slice3A_217 : vector<1x8x8x128xf32> to vector<8x8x128xf32>
    %swap3A_219 = arith.constant 0 : index
    %swap3A_220 = arith.constant 0 : index
    %swap3A_221 = arith.constant 16 : index
    %swap3A_222 = arith.constant 0 : index
    %swap3A_223 = arith.constant 0 : index
    %swap3A_224 = vector.load %arg2[%swap3A_219, %swap3A_220, %swap3A_221, %swap3A_222, %swap3A_223] : memref<1x8x32x8x128xf32, #tpu.memory_space<vmem>>, vector<1x8x1x8x128xf32>
    %swap3A_225 = vector.shape_cast %swap3A_224 : vector<1x8x1x8x128xf32> to vector<8x8x128xf32>
    %swap3A_226 = vector.shape_cast %squeeze3A_218 : vector<8x8x128xf32> to vector<1x8x1x8x128xf32>
    tpu.vector_store %arg2[%swap3A_219, %swap3A_220, %swap3A_221, %swap3A_222, %swap3A_223], %swap3A_226 {strides = array<i32>} : memref<1x8x32x8x128xf32, #tpu.memory_space<vmem>>, vector<1x8x1x8x128xf32>,
    %slice3A_227 = vector.extract_strided_slice %reshape3A_216 {offsets = [1, 0, 0, 0], sizes = [1, 8, 8, 128], strides = [1, 1, 1, 1]} : vector<2x8x8x128xf32> to vector<1x8x8x128xf32>
    %squeeze3A_228 = vector.shape_cast %slice3A_227 : vector<1x8x8x128xf32> to vector<8x8x128xf32>
    %swap3A_229 = arith.constant 0 : index
    %swap3A_230 = arith.constant 0 : index
    %swap3A_231 = arith.constant 17 : index
    %swap3A_232 = arith.constant 0 : index
    %swap3A_233 = arith.constant 0 : index
    %swap3A_234 = vector.load %arg2[%swap3A_229, %swap3A_230, %swap3A_231, %swap3A_232, %swap3A_233] : memref<1x8x32x8x128xf32, #tpu.memory_space<vmem>>, vector<1x8x1x8x128xf32>
    %swap3A_235 = vector.shape_cast %swap3A_234 : vector<1x8x1x8x128xf32> to vector<8x8x128xf32>
    %swap3A_236 = vector.shape_cast %squeeze3A_228 : vector<8x8x128xf32> to vector<1x8x1x8x128xf32>
    tpu.vector_store %arg2[%swap3A_229, %swap3A_230, %swap3A_231, %swap3A_232, %swap3A_233], %swap3A_236 {strides = array<i32>} : memref<1x8x32x8x128xf32, #tpu.memory_space<vmem>>, vector<1x8x1x8x128xf32>,
    %get3A_237 = arith.constant 9 : index
    %get3A_238 = arith.constant 0 : index
    %get3A_239 = arith.constant 0 : index
    %get3A_240 = vector.load %arg1[%get3A_237, %get3A_238, %get3A_239] : memref<16x128x128xf32, #tpu.memory_space<vmem>>, vector<1x128x128xf32>
    %get3A_241 = vector.shape_cast %get3A_240 : vector<1x128x128xf32> to vector<128x128xf32>
    %transpose3A_242 = tpu.transpose %get3A_241, [1, 0] : vector<128x128xf32> -> vector<128x128xf32>
    %reshape3A_243 = vector.shape_cast %transpose3A_242 : vector<128x128xf32> to vector<2x8x8x128xf32>
    %slice3A_244 = vector.extract_strided_slice %reshape3A_243 {offsets = [0, 0, 0, 0], sizes = [1, 8, 8, 128], strides = [1, 1, 1, 1]} : vector<2x8x8x128xf32> to vector<1x8x8x128xf32>
    %squeeze3A_245 = vector.shape_cast %slice3A_244 : vector<1x8x8x128xf32> to vector<8x8x128xf32>
    %swap3A_246 = arith.constant 0 : index
    %swap3A_247 = arith.constant 0 : index
    %swap3A_248 = arith.constant 18 : index
    %swap3A_249 = arith.constant 0 : index
    %swap3A_250 = arith.constant 0 : index
    %swap3A_251 = vector.load %arg2[%swap3A_246, %swap3A_247, %swap3A_248, %swap3A_249, %swap3A_250] : memref<1x8x32x8x128xf32, #tpu.memory_space<vmem>>, vector<1x8x1x8x128xf32>
    %swap3A_252 = vector.shape_cast %swap3A_251 : vector<1x8x1x8x128xf32> to vector<8x8x128xf32>
    %swap3A_253 = vector.shape_cast %squeeze3A_245 : vector<8x8x128xf32> to vector<1x8x1x8x128xf32>
    tpu.vector_store %arg2[%swap3A_246, %swap3A_247, %swap3A_248, %swap3A_249, %swap3A_250], %swap3A_253 {strides = array<i32>} : memref<1x8x32x8x128xf32, #tpu.memory_space<vmem>>, vector<1x8x1x8x128xf32>,
    %slice3A_254 = vector.extract_strided_slice %reshape3A_243 {offsets = [1, 0, 0, 0], sizes = [1, 8, 8, 128], strides = [1, 1, 1, 1]} : vector<2x8x8x128xf32> to vector<1x8x8x128xf32>
    %squeeze3A_255 = vector.shape_cast %slice3A_254 : vector<1x8x8x128xf32> to vector<8x8x128xf32>
    %swap3A_256 = arith.constant 0 : index
    %swap3A_257 = arith.constant 0 : index
    %swap3A_258 = arith.constant 19 : index
    %swap3A_259 = arith.constant 0 : index
    %swap3A_260 = arith.constant 0 : index
    %swap3A_261 = vector.load %arg2[%swap3A_256, %swap3A_257, %swap3A_258, %swap3A_259, %swap3A_260] : memref<1x8x32x8x128xf32, #tpu.memory_space<vmem>>, vector<1x8x1x8x128xf32>
    %swap3A_262 = vector.shape_cast %swap3A_261 : vector<1x8x1x8x128xf32> to vector<8x8x128xf32>
    %swap3A_263 = vector.shape_cast %squeeze3A_255 : vector<8x8x128xf32> to vector<1x8x1x8x128xf32>
    tpu.vector_store %arg2[%swap3A_256, %swap3A_257, %swap3A_258, %swap3A_259, %swap3A_260], %swap3A_263 {strides = array<i32>} : memref<1x8x32x8x128xf32, #tpu.memory_space<vmem>>, vector<1x8x1x8x128xf32>,
    %get3A_264 = arith.constant 10 : index
    %get3A_265 = arith.constant 0 : index
    %get3A_266 = arith.constant 0 : index
    %get3A_267 = vector.load %arg1[%get3A_264, %get3A_265, %get3A_266] : memref<16x128x128xf32, #tpu.memory_space<vmem>>, vector<1x128x128xf32>
    %get3A_268 = vector.shape_cast %get3A_267 : vector<1x128x128xf32> to vector<128x128xf32>
    %transpose3A_269 = tpu.transpose %get3A_268, [1, 0] : vector<128x128xf32> -> vector<128x128xf32>
    %reshape3A_270 = vector.shape_cast %transpose3A_269 : vector<128x128xf32> to vector<2x8x8x128xf32>
    %slice3A_271 = vector.extract_strided_slice %reshape3A_270 {offsets = [0, 0, 0, 0], sizes = [1, 8, 8, 128], strides = [1, 1, 1, 1]} : vector<2x8x8x128xf32> to vector<1x8x8x128xf32>
    %squeeze3A_272 = vector.shape_cast %slice3A_271 : vector<1x8x8x128xf32> to vector<8x8x128xf32>
    %swap3A_273 = arith.constant 0 : index
    %swap3A_274 = arith.constant 0 : index
    %swap3A_275 = arith.constant 20 : index
    %swap3A_276 = arith.constant 0 : index
    %swap3A_277 = arith.constant 0 : index
    %swap3A_278 = vector.load %arg2[%swap3A_273, %swap3A_274, %swap3A_275, %swap3A_276, %swap3A_277] : memref<1x8x32x8x128xf32, #tpu.memory_space<vmem>>, vector<1x8x1x8x128xf32>
    %swap3A_279 = vector.shape_cast %swap3A_278 : vector<1x8x1x8x128xf32> to vector<8x8x128xf32>
    %swap3A_280 = vector.shape_cast %squeeze3A_272 : vector<8x8x128xf32> to vector<1x8x1x8x128xf32>
    tpu.vector_store %arg2[%swap3A_273, %swap3A_274, %swap3A_275, %swap3A_276, %swap3A_277], %swap3A_280 {strides = array<i32>} : memref<1x8x32x8x128xf32, #tpu.memory_space<vmem>>, vector<1x8x1x8x128xf32>,
    %slice3A_281 = vector.extract_strided_slice %reshape3A_270 {offsets = [1, 0, 0, 0], sizes = [1, 8, 8, 128], strides = [1, 1, 1, 1]} : vector<2x8x8x128xf32> to vector<1x8x8x128xf32>
    %squeeze3A_282 = vector.shape_cast %slice3A_281 : vector<1x8x8x128xf32> to vector<8x8x128xf32>
    %swap3A_283 = arith.constant 0 : index
    %swap3A_284 = arith.constant 0 : index
    %swap3A_285 = arith.constant 21 : index
    %swap3A_286 = arith.constant 0 : index
    %swap3A_287 = arith.constant 0 : index
    %swap3A_288 = vector.load %arg2[%swap3A_283, %swap3A_284, %swap3A_285, %swap3A_286, %swap3A_287] : memref<1x8x32x8x128xf32, #tpu.memory_space<vmem>>, vector<1x8x1x8x128xf32>
    %swap3A_289 = vector.shape_cast %swap3A_288 : vector<1x8x1x8x128xf32> to vector<8x8x128xf32>
    %swap3A_290 = vector.shape_cast %squeeze3A_282 : vector<8x8x128xf32> to vector<1x8x1x8x128xf32>
    tpu.vector_store %arg2[%swap3A_283, %swap3A_284, %swap3A_285, %swap3A_286, %swap3A_287], %swap3A_290 {strides = array<i32>} : memref<1x8x32x8x128xf32, #tpu.memory_space<vmem>>, vector<1x8x1x8x128xf32>,
    %get3A_291 = arith.constant 11 : index
    %get3A_292 = arith.constant 0 : index
    %get3A_293 = arith.constant 0 : index
    %get3A_294 = vector.load %arg1[%get3A_291, %get3A_292, %get3A_293] : memref<16x128x128xf32, #tpu.memory_space<vmem>>, vector<1x128x128xf32>
    %get3A_295 = vector.shape_cast %get3A_294 : vector<1x128x128xf32> to vector<128x128xf32>
    %transpose3A_296 = tpu.transpose %get3A_295, [1, 0] : vector<128x128xf32> -> vector<128x128xf32>
    %reshape3A_297 = vector.shape_cast %transpose3A_296 : vector<128x128xf32> to vector<2x8x8x128xf32>
    %slice3A_298 = vector.extract_strided_slice %reshape3A_297 {offsets = [0, 0, 0, 0], sizes = [1, 8, 8, 128], strides = [1, 1, 1, 1]} : vector<2x8x8x128xf32> to vector<1x8x8x128xf32>
    %squeeze3A_299 = vector.shape_cast %slice3A_298 : vector<1x8x8x128xf32> to vector<8x8x128xf32>
    %swap3A_300 = arith.constant 0 : index
    %swap3A_301 = arith.constant 0 : index
    %swap3A_302 = arith.constant 22 : index
    %swap3A_303 = arith.constant 0 : index
    %swap3A_304 = arith.constant 0 : index
    %swap3A_305 = vector.load %arg2[%swap3A_300, %swap3A_301, %swap3A_302, %swap3A_303, %swap3A_304] : memref<1x8x32x8x128xf32, #tpu.memory_space<vmem>>, vector<1x8x1x8x128xf32>
    %swap3A_306 = vector.shape_cast %swap3A_305 : vector<1x8x1x8x128xf32> to vector<8x8x128xf32>
    %swap3A_307 = vector.shape_cast %squeeze3A_299 : vector<8x8x128xf32> to vector<1x8x1x8x128xf32>
    tpu.vector_store %arg2[%swap3A_300, %swap3A_301, %swap3A_302, %swap3A_303, %swap3A_304], %swap3A_307 {strides = array<i32>} : memref<1x8x32x8x128xf32, #tpu.memory_space<vmem>>, vector<1x8x1x8x128xf32>,
    %slice3A_308 = vector.extract_strided_slice %reshape3A_297 {offsets = [1, 0, 0, 0], sizes = [1, 8, 8, 128], strides = [1, 1, 1, 1]} : vector<2x8x8x128xf32> to vector<1x8x8x128xf32>
    %squeeze3A_309 = vector.shape_cast %slice3A_308 : vector<1x8x8x128xf32> to vector<8x8x128xf32>
    %swap3A_310 = arith.constant 0 : index
    %swap3A_311 = arith.constant 0 : index
    %swap3A_312 = arith.constant 23 : index
    %swap3A_313 = arith.constant 0 : index
    %swap3A_314 = arith.constant 0 : index
    %swap3A_315 = vector.load %arg2[%swap3A_310, %swap3A_311, %swap3A_312, %swap3A_313, %swap3A_314] : memref<1x8x32x8x128xf32, #tpu.memory_space<vmem>>, vector<1x8x1x8x128xf32>
    %swap3A_316 = vector.shape_cast %swap3A_315 : vector<1x8x1x8x128xf32> to vector<8x8x128xf32>
    %swap3A_317 = vector.shape_cast %squeeze3A_309 : vector<8x8x128xf32> to vector<1x8x1x8x128xf32>
    tpu.vector_store %arg2[%swap3A_310, %swap3A_311, %swap3A_312, %swap3A_313, %swap3A_314], %swap3A_317 {strides = array<i32>} : memref<1x8x32x8x128xf32, #tpu.memory_space<vmem>>, vector<1x8x1x8x128xf32>,
    %get3A_318 = arith.constant 12 : index
    %get3A_319 = arith.constant 0 : index
    %get3A_320 = arith.constant 0 : index
    %get3A_321 = vector.load %arg1[%get3A_318, %get3A_319, %get3A_320] : memref<16x128x128xf32, #tpu.memory_space<vmem>>, vector<1x128x128xf32>
    %get3A_322 = vector.shape_cast %get3A_321 : vector<1x128x128xf32> to vector<128x128xf32>
    %transpose3A_323 = tpu.transpose %get3A_322, [1, 0] : vector<128x128xf32> -> vector<128x128xf32>
    %reshape3A_324 = vector.shape_cast %transpose3A_323 : vector<128x128xf32> to vector<2x8x8x128xf32>
    %slice3A_325 = vector.extract_strided_slice %reshape3A_324 {offsets = [0, 0, 0, 0], sizes = [1, 8, 8, 128], strides = [1, 1, 1, 1]} : vector<2x8x8x128xf32> to vector<1x8x8x128xf32>
    %squeeze3A_326 = vector.shape_cast %slice3A_325 : vector<1x8x8x128xf32> to vector<8x8x128xf32>
    %swap3A_327 = arith.constant 0 : index
    %swap3A_328 = arith.constant 0 : index
    %swap3A_329 = arith.constant 24 : index
    %swap3A_330 = arith.constant 0 : index
    %swap3A_331 = arith.constant 0 : index
    %swap3A_332 = vector.load %arg2[%swap3A_327, %swap3A_328, %swap3A_329, %swap3A_330, %swap3A_331] : memref<1x8x32x8x128xf32, #tpu.memory_space<vmem>>, vector<1x8x1x8x128xf32>
    %swap3A_333 = vector.shape_cast %swap3A_332 : vector<1x8x1x8x128xf32> to vector<8x8x128xf32>
    %swap3A_334 = vector.shape_cast %squeeze3A_326 : vector<8x8x128xf32> to vector<1x8x1x8x128xf32>
    tpu.vector_store %arg2[%swap3A_327, %swap3A_328, %swap3A_329, %swap3A_330, %swap3A_331], %swap3A_334 {strides = array<i32>} : memref<1x8x32x8x128xf32, #tpu.memory_space<vmem>>, vector<1x8x1x8x128xf32>,
    %slice3A_335 = vector.extract_strided_slice %reshape3A_324 {offsets = [1, 0, 0, 0], sizes = [1, 8, 8, 128], strides = [1, 1, 1, 1]} : vector<2x8x8x128xf32> to vector<1x8x8x128xf32>
    %squeeze3A_336 = vector.shape_cast %slice3A_335 : vector<1x8x8x128xf32> to vector<8x8x128xf32>
    %swap3A_337 = arith.constant 0 : index
    %swap3A_338 = arith.constant 0 : index
    %swap3A_339 = arith.constant 25 : index
    %swap3A_340 = arith.constant 0 : index
    %swap3A_341 = arith.constant 0 : index
    %swap3A_342 = vector.load %arg2[%swap3A_337, %swap3A_338, %swap3A_339, %swap3A_340, %swap3A_341] : memref<1x8x32x8x128xf32, #tpu.memory_space<vmem>>, vector<1x8x1x8x128xf32>
    %swap3A_343 = vector.shape_cast %swap3A_342 : vector<1x8x1x8x128xf32> to vector<8x8x128xf32>
    %swap3A_344 = vector.shape_cast %squeeze3A_336 : vector<8x8x128xf32> to vector<1x8x1x8x128xf32>
    tpu.vector_store %arg2[%swap3A_337, %swap3A_338, %swap3A_339, %swap3A_340, %swap3A_341], %swap3A_344 {strides = array<i32>} : memref<1x8x32x8x128xf32, #tpu.memory_space<vmem>>, vector<1x8x1x8x128xf32>,
    %get3A_345 = arith.constant 13 : index
    %get3A_346 = arith.constant 0 : index
    %get3A_347 = arith.constant 0 : index
    %get3A_348 = vector.load %arg1[%get3A_345, %get3A_346, %get3A_347] : memref<16x128x128xf32, #tpu.memory_space<vmem>>, vector<1x128x128xf32>
    %get3A_349 = vector.shape_cast %get3A_348 : vector<1x128x128xf32> to vector<128x128xf32>
    %transpose3A_350 = tpu.transpose %get3A_349, [1, 0] : vector<128x128xf32> -> vector<128x128xf32>
    %reshape3A_351 = vector.shape_cast %transpose3A_350 : vector<128x128xf32> to vector<2x8x8x128xf32>
    %slice3A_352 = vector.extract_strided_slice %reshape3A_351 {offsets = [0, 0, 0, 0], sizes = [1, 8, 8, 128], strides = [1, 1, 1, 1]} : vector<2x8x8x128xf32> to vector<1x8x8x128xf32>
    %squeeze3A_353 = vector.shape_cast %slice3A_352 : vector<1x8x8x128xf32> to vector<8x8x128xf32>
    %swap3A_354 = arith.constant 0 : index
    %swap3A_355 = arith.constant 0 : index
    %swap3A_356 = arith.constant 26 : index
    %swap3A_357 = arith.constant 0 : index
    %swap3A_358 = arith.constant 0 : index
    %swap3A_359 = vector.load %arg2[%swap3A_354, %swap3A_355, %swap3A_356, %swap3A_357, %swap3A_358] : memref<1x8x32x8x128xf32, #tpu.memory_space<vmem>>, vector<1x8x1x8x128xf32>
    %swap3A_360 = vector.shape_cast %swap3A_359 : vector<1x8x1x8x128xf32> to vector<8x8x128xf32>
    %swap3A_361 = vector.shape_cast %squeeze3A_353 : vector<8x8x128xf32> to vector<1x8x1x8x128xf32>
    tpu.vector_store %arg2[%swap3A_354, %swap3A_355, %swap3A_356, %swap3A_357, %swap3A_358], %swap3A_361 {strides = array<i32>} : memref<1x8x32x8x128xf32, #tpu.memory_space<vmem>>, vector<1x8x1x8x128xf32>,
    %slice3A_362 = vector.extract_strided_slice %reshape3A_351 {offsets = [1, 0, 0, 0], sizes = [1, 8, 8, 128], strides = [1, 1, 1, 1]} : vector<2x8x8x128xf32> to vector<1x8x8x128xf32>
    %squeeze3A_363 = vector.shape_cast %slice3A_362 : vector<1x8x8x128xf32> to vector<8x8x128xf32>
    %swap3A_364 = arith.constant 0 : index
    %swap3A_365 = arith.constant 0 : index
    %swap3A_366 = arith.constant 27 : index
    %swap3A_367 = arith.constant 0 : index
    %swap3A_368 = arith.constant 0 : index
    %swap3A_369 = vector.load %arg2[%swap3A_364, %swap3A_365, %swap3A_366, %swap3A_367, %swap3A_368] : memref<1x8x32x8x128xf32, #tpu.memory_space<vmem>>, vector<1x8x1x8x128xf32>
    %swap3A_370 = vector.shape_cast %swap3A_369 : vector<1x8x1x8x128xf32> to vector<8x8x128xf32>
    %swap3A_371 = vector.shape_cast %squeeze3A_363 : vector<8x8x128xf32> to vector<1x8x1x8x128xf32>
    tpu.vector_store %arg2[%swap3A_364, %swap3A_365, %swap3A_366, %swap3A_367, %swap3A_368], %swap3A_371 {strides = array<i32>} : memref<1x8x32x8x128xf32, #tpu.memory_space<vmem>>, vector<1x8x1x8x128xf32>,
    %get3A_372 = arith.constant 14 : index
    %get3A_373 = arith.constant 0 : index
    %get3A_374 = arith.constant 0 : index
    %get3A_375 = vector.load %arg1[%get3A_372, %get3A_373, %get3A_374] : memref<16x128x128xf32, #tpu.memory_space<vmem>>, vector<1x128x128xf32>
    %get3A_376 = vector.shape_cast %get3A_375 : vector<1x128x128xf32> to vector<128x128xf32>
    %transpose3A_377 = tpu.transpose %get3A_376, [1, 0] : vector<128x128xf32> -> vector<128x128xf32>
    %reshape3A_378 = vector.shape_cast %transpose3A_377 : vector<128x128xf32> to vector<2x8x8x128xf32>
    %slice3A_379 = vector.extract_strided_slice %reshape3A_378 {offsets = [0, 0, 0, 0], sizes = [1, 8, 8, 128], strides = [1, 1, 1, 1]} : vector<2x8x8x128xf32> to vector<1x8x8x128xf32>
    %squeeze3A_380 = vector.shape_cast %slice3A_379 : vector<1x8x8x128xf32> to vector<8x8x128xf32>
    %swap3A_381 = arith.constant 0 : index
    %swap3A_382 = arith.constant 0 : index
    %swap3A_383 = arith.constant 28 : index
    %swap3A_384 = arith.constant 0 : index
    %swap3A_385 = arith.constant 0 : index
    %swap3A_386 = vector.load %arg2[%swap3A_381, %swap3A_382, %swap3A_383, %swap3A_384, %swap3A_385] : memref<1x8x32x8x128xf32, #tpu.memory_space<vmem>>, vector<1x8x1x8x128xf32>
    %swap3A_387 = vector.shape_cast %swap3A_386 : vector<1x8x1x8x128xf32> to vector<8x8x128xf32>
    %swap3A_388 = vector.shape_cast %squeeze3A_380 : vector<8x8x128xf32> to vector<1x8x1x8x128xf32>
    tpu.vector_store %arg2[%swap3A_381, %swap3A_382, %swap3A_383, %swap3A_384, %swap3A_385], %swap3A_388 {strides = array<i32>} : memref<1x8x32x8x128xf32, #tpu.memory_space<vmem>>, vector<1x8x1x8x128xf32>,
    %slice3A_389 = vector.extract_strided_slice %reshape3A_378 {offsets = [1, 0, 0, 0], sizes = [1, 8, 8, 128], strides = [1, 1, 1, 1]} : vector<2x8x8x128xf32> to vector<1x8x8x128xf32>
    %squeeze3A_390 = vector.shape_cast %slice3A_389 : vector<1x8x8x128xf32> to vector<8x8x128xf32>
    %swap3A_391 = arith.constant 0 : index
    %swap3A_392 = arith.constant 0 : index
    %swap3A_393 = arith.constant 29 : index
    %swap3A_394 = arith.constant 0 : index
    %swap3A_395 = arith.constant 0 : index
    %swap3A_396 = vector.load %arg2[%swap3A_391, %swap3A_392, %swap3A_393, %swap3A_394, %swap3A_395] : memref<1x8x32x8x128xf32, #tpu.memory_space<vmem>>, vector<1x8x1x8x128xf32>
    %swap3A_397 = vector.shape_cast %swap3A_396 : vector<1x8x1x8x128xf32> to vector<8x8x128xf32>
    %swap3A_398 = vector.shape_cast %squeeze3A_390 : vector<8x8x128xf32> to vector<1x8x1x8x128xf32>
    tpu.vector_store %arg2[%swap3A_391, %swap3A_392, %swap3A_393, %swap3A_394, %swap3A_395], %swap3A_398 {strides = array<i32>} : memref<1x8x32x8x128xf32, #tpu.memory_space<vmem>>, vector<1x8x1x8x128xf32>,
    %get3A_399 = arith.constant 15 : index
    %get3A_400 = arith.constant 0 : index
    %get3A_401 = arith.constant 0 : index
    %get3A_402 = vector.load %arg1[%get3A_399, %get3A_400, %get3A_401] : memref<16x128x128xf32, #tpu.memory_space<vmem>>, vector<1x128x128xf32>
    %get3A_403 = vector.shape_cast %get3A_402 : vector<1x128x128xf32> to vector<128x128xf32>
    %transpose3A_404 = tpu.transpose %get3A_403, [1, 0] : vector<128x128xf32> -> vector<128x128xf32>
    %reshape3A_405 = vector.shape_cast %transpose3A_404 : vector<128x128xf32> to vector<2x8x8x128xf32>
    %slice3A_406 = vector.extract_strided_slice %reshape3A_405 {offsets = [0, 0, 0, 0], sizes = [1, 8, 8, 128], strides = [1, 1, 1, 1]} : vector<2x8x8x128xf32> to vector<1x8x8x128xf32>
    %squeeze3A_407 = vector.shape_cast %slice3A_406 : vector<1x8x8x128xf32> to vector<8x8x128xf32>
    %swap3A_408 = arith.constant 0 : index
    %swap3A_409 = arith.constant 0 : index
    %swap3A_410 = arith.constant 30 : index
    %swap3A_411 = arith.constant 0 : index
    %swap3A_412 = arith.constant 0 : index
    %swap3A_413 = vector.load %arg2[%swap3A_408, %swap3A_409, %swap3A_410, %swap3A_411, %swap3A_412] : memref<1x8x32x8x128xf32, #tpu.memory_space<vmem>>, vector<1x8x1x8x128xf32>
    %swap3A_414 = vector.shape_cast %swap3A_413 : vector<1x8x1x8x128xf32> to vector<8x8x128xf32>
    %swap3A_415 = vector.shape_cast %squeeze3A_407 : vector<8x8x128xf32> to vector<1x8x1x8x128xf32>
    tpu.vector_store %arg2[%swap3A_408, %swap3A_409, %swap3A_410, %swap3A_411, %swap3A_412], %swap3A_415 {strides = array<i32>} : memref<1x8x32x8x128xf32, #tpu.memory_space<vmem>>, vector<1x8x1x8x128xf32>,
    %slice3A_416 = vector.extract_strided_slice %reshape3A_405 {offsets = [1, 0, 0, 0], sizes = [1, 8, 8, 128], strides = [1, 1, 1, 1]} : vector<2x8x8x128xf32> to vector<1x8x8x128xf32>
    %squeeze3A_417 = vector.shape_cast %slice3A_416 : vector<1x8x8x128xf32> to vector<8x8x128xf32>
    %swap3A_418 = arith.constant 0 : index
    %swap3A_419 = arith.constant 0 : index
    %swap3A_420 = arith.constant 31 : index
    %swap3A_421 = arith.constant 0 : index
    %swap3A_422 = arith.constant 0 : index
    %swap3A_423 = vector.load %arg2[%swap3A_418, %swap3A_419, %swap3A_420, %swap3A_421, %swap3A_422] : memref<1x8x32x8x128xf32, #tpu.memory_space<vmem>>, vector<1x8x1x8x128xf32>
    %swap3A_424 = vector.shape_cast %swap3A_423 : vector<1x8x1x8x128xf32> to vector<8x8x128xf32>
    %swap3A_425 = vector.shape_cast %squeeze3A_417 : vector<8x8x128xf32> to vector<1x8x1x8x128xf32>
    tpu.vector_store %arg2[%swap3A_418, %swap3A_419, %swap3A_420, %swap3A_421, %swap3A_422], %swap3A_425 {strides = array<i32>} : memref<1x8x32x8x128xf32, #tpu.memory_space<vmem>>, vector<1x8x1x8x128xf32>,
    return
  }
  func.func @transform_0(%arg0: i32) -> (i32, i32, i32) {
    %c0_i32 = arith.constant 0 : i32
    %c0_i32_0 = arith.constant 0 : i32
    %c0_i32_1 = arith.constant 0 : i32
    return %arg0, %c0_i32, %c0_i32_0 : i32, i32, i32
  }
  func.func @transform_1(%arg0: i32) -> (i32, i32, i32, i32, i32) {
    %c0_i32 = arith.constant 0 : i32
    %c0_i32_0 = arith.constant 0 : i32
    %c0_i32_1 = arith.constant 0 : i32
    %c0_i32_2 = arith.constant 0 : i32
    %c0_i32_3 = arith.constant 0 : i32
    return %arg0, %c0_i32, %c0_i32_0, %c0_i32_1, %c0_i32_2 : i32, i32, i32, i32, i32
  }
}

</mosaic_0001>

<sc_bundles>
// kernel: kernel.4.cloned.1.call-start
scs
__scs_entry_jumppad:
0x0: {  	(pc) =	sbr.rel $0x88, $3  }
0x1: {  	(tag) =	ssettag $0x0;
	lr =	simm.s32 $0x1  }
0x2: {  	[smem:$0x3F9F] =	sst lr;
	_ =	strace $0xD0000000  }
0x3: {  	_ = 	snop  }
0x4: {  	_ = 	snop  }
0x5: {  	_ = 	snop  }
0x6: {  	_ = 	snop  }
0x7: {  	_ = 	snop  }
__scs_overlays_trampoline_lowered:
0x8: {  	[smem:$0x3FAE] =	sst s0  }
0x9: {  	[smem:$0x3FAF] =	sst s1  }
0xa: {  	[smem:$0x3FB0] =	sst s2  }
0xb: {  	[smem:$0x3FB1] =	sst s3  }
0xc: {  	[smem:$0x3FB2] =	sst s4  }
0xd: {  	[smem:$0x3FB3] =	sst s5  }
0xe: {  	[smem:$0x3FB4] =	sst s6  }
0xf: {  	[smem:$0x3FB5] =	sst s7  }
0x10: {  	[smem:$0x3FB6] =	sst s8  }
0x11: {  	[smem:$0x3FB7] =	sst s9;
	s0 =	simm.s32 @!p0 $0x0  }
0x12: {  	s1 =	sld [smem:$0x3F9D];
	s0 =	simm.s32 @p0 $0x1  }
0x13: {  	[smem:$0x3FB8] =	sst s0;
	s0 =	simm.s32 @!p1 $0x0  }
0x14: {  	s2 =	sld [smem:$0x3F9C];
	s0 =	simm.s32 @p1 $0x1  }
0x15: {  	[smem:$0x3FB9] =	sst s0;
	s0 =	simm.s32 @!p2 $0x0  }
0x16: {  	s3 =	sld [smem:$0x3FDB];
	s0 =	simm.s32 @p2 $0x1  }
0x17: {  	s4 =	simm.s32 $0x1BF5;
	[smem:$0x3FBB] =	sst s0  }
0x18: {  	s0 =	sld [smem:$0x3F9E];
	_ =	swait.ge [sflag:s4], $0x0  }
0x19: {  	s7 =	sld [smem:$0x3F9F]  }
0x1a: {  	s8 =	sadd.s32 $0xFFFFE003, lr  }
0x1b: {  	s9 =	sadd.s32 $0xFFFFFEF7, lr;
	s5 =	simm.s32 $0xFFFFFFFF;
	p2 =	slt.u32 s8, $0xFFFFF086  }
0x1c: {  	p1 =	slt.u32 s9, $0xF7A;
	s5 =	simm.s32 @!p2 $0x0  }
0x1d: {  	s5 =	simm.s32 @p1 $0x1;
	p0 =	seq.s32 s7, s2  }
0x1e: {  	s7 =	smul.u32 @!p0 $0xF7A, s2;
	p2 =	seq.s32 @!p0 s5, $0x0  }
0x1f: {  	s9 =	smul.u32 $0xF7A, s1;
	s8 =	simm.s32 @!p0 $0x1BF5;
	p2 =	por !p2, p0  }
0x20: {  	[sflag:s8] =	ssyncset.s32 @!p0 $0xFFFFF086;
	s6 =	sadd.s32 @!p0 s3, s7;
	s7 =	simm.s32 @!p0 $0x108  }
0x21: {  	s3 =	sadd.s32 s3, s9;
	s6 =	sadd.s32 @!p0 $0x88, s6;
	s7 =	simm.s32 @p2 $0x1082  }
0x22: {  	[simem:s7], [sflag:s8] =	dma.local @!p0 [hbm:s6], $0xF7A  }
0x23: {  	s9 =	sor.u32 $0xD0000000, s2;
	s6 =	simm.s32 $0x108;
	_ =	swait.ge @!p0 [sflag:s8], $0x0  }
0x24: {  	s3 =	sadd.s32 $0x88, s3;
	s6 =	simm.s32 @!p1 $0x1082;
	[sflag:s4] =	ssyncset.s32 $0xFFFFF086  }
0x25: {  	[simem:s6], [sflag:s4] =	dma.local [hbm:s3], $0xF7A  }
0x26: {  	[smem:$0x3F9F] =	sst s1;
	(tag) =	ssettag s2;
	_ =	strace s9  }
0x27: {  	s1 =	sld [smem:$0x3FAF]  }
0x28: {  	s2 =	sld [smem:$0x3FB0]  }
0x29: {  	s4 =	sld [smem:$0x3FB2]  }
0x2a: {  	p0 =	seq.s32 s5, $0x0;
	s5 =	sld [smem:$0x3FB3]  }
0x2b: {  	s6 =	sld [smem:$0x3FB4]  }
0x2c: {  	s7 =	sld [smem:$0x3FB5]  }
0x2d: {  	s3 =	simm.s32 $0x108;
	s8 =	sld [smem:$0x3FB6]  }
0x2e: {  	s3 =	simm.s32 @!p0 $0x1082;
	s9 =	sld [smem:$0x3FB7]  }
0x2f: {  	lr =	sadd.s32 s0, s3;
	s0 =	sld [smem:$0x3FAE]  }
0x30: {  	s3 =	sld [smem:$0x3FB1]  }
0x31: {  	[smem:$0x3FBA] =	sst s10  }
0x32: {  	s10 =	sld [smem:$0x3FB8];
	_ =	sdelay $0x3  }
0x33: {  	p0 =	seq.s32 s10, $0x1;
	s10 =	sld [smem:$0x3FBA];
	_ =	sdelay $0x3  }
0x34: {  	[smem:$0x3FBA] =	sst s10  }
0x35: {  	s10 =	sld [smem:$0x3FB9];
	_ =	sdelay $0x3  }
0x36: {  	p1 =	seq.s32 s10, $0x1;
	s10 =	sld [smem:$0x3FBA];
	_ =	sdelay $0x3  }
0x37: {  	[smem:$0x3FBA] =	sst s10  }
0x38: {  	s10 =	sld [smem:$0x3FBB]  }
0x39: {  	_ = 	snop;
	(pc) =	sbr.ind lr, $3  }
0x3a: {  	_ = 	snop  }
0x3b: {  	_ = 	snop  }
0x3c: {  	p2 =	seq.s32 s10, $0x1;
	s10 =	sld [smem:$0x3FBA]  }
0x3d: {  	_ =	shalt  }
0x3e: {  	_ =	shalt  }
0x3f: {  	_ =	shalt  }
0x40: {  	_ =	shalt  }
0x41: {  	_ =	shalt  }
0x42: {  	_ =	shalt  }
0x43: {  	_ =	shalt  }
0x44: {  	_ =	shalt  }
0x45: {  	_ =	shalt  }
0x46: {  	_ =	shalt  }
0x47: {  	_ =	shalt  }
0x48: {  	_ =	shalt  }
0x49: {  	_ =	shalt  }
0x4a: {  	_ =	shalt  }
0x4b: {  	_ =	shalt  }
0x4c: {  	_ =	shalt  }
0x4d: {  	_ =	shalt  }
0x4e: {  	_ =	shalt  }
0x4f: {  	_ =	shalt  }
0x50: {  	_ =	shalt  }
0x51: {  	_ =	shalt  }
0x52: {  	_ =	shalt  }
0x53: {  	_ =	shalt  }
0x54: {  	_ =	shalt  }
0x55: {  	_ =	shalt  }
0x56: {  	_ =	shalt  }
0x57: {  	_ =	shalt  }
0x58: {  	_ =	shalt  }
0x59: {  	_ =	shalt  }
0x5a: {  	_ =	shalt  }
0x5b: {  	_ =	shalt  }
0x5c: {  	_ =	shalt  }
0x5d: {  	_ =	shalt  }
0x5e: {  	_ =	shalt  }
0x5f: {  	_ =	shalt  }
0x60: {  	_ =	shalt  }
0x61: {  	_ =	shalt  }
0x62: {  	_ =	shalt  }
0x63: {  	_ =	shalt  }
0x64: {  	_ =	shalt  }
0x65: {  	_ =	shalt  }
0x66: {  	_ =	shalt  }
0x67: {  	_ =	shalt  }
0x68: {  	_ =	shalt  }
0x69: {  	_ =	shalt  }
0x6a: {  	_ =	shalt  }
0x6b: {  	_ =	shalt  }
0x6c: {  	_ =	shalt  }
0x6d: {  	_ =	shalt  }
0x6e: {  	_ =	shalt  }
0x6f: {  	_ =	shalt  }
0x70: {  	_ =	shalt  }
0x71: {  	_ =	shalt  }
0x72: {  	_ =	shalt  }
0x73: {  	_ =	shalt  }
0x74: {  	_ =	shalt  }
0x75: {  	_ =	shalt  }
0x76: {  	_ =	shalt  }
0x77: {  	_ =	shalt  }
0x78: {  	_ =	shalt  }
0x79: {  	_ =	shalt  }
0x7a: {  	_ =	shalt  }
0x7b: {  	_ =	shalt  }
0x7c: {  	_ =	shalt  }
0x7d: {  	_ =	shalt  }
0x7e: {  	_ =	shalt  }
0x7f: {  	_ =	shalt  }
0x80: {  	_ =	shalt  }
0x81: {  	_ =	shalt  }
0x82: {  	_ =	shalt  }
0x83: {  	_ =	shalt  }
0x84: {  	_ =	shalt  }
0x85: {  	_ =	shalt  }
0x86: {  	_ =	shalt  }
0x87: {  	_ =	shalt  }
.Lfunc_end0:
.L_simem_size_0:
called_computation_lowered:
.L_overlay_start_0:
0x88: {  	s2 =	sld [smem:$0x3FD9]  }
0x89: {  	s3 =	sld [smem:$0x3FFE];
	_ =	sdelay $0x1  }
0x8a: {  	s1 =	srdreg.scid  }
0x8b: {  	s0 =	sand.u32 $0x1, s1  }
0x8c: {  	s17 =	sshll.u32 s0, $0xA;
	s2 =	sadd.s32 s3, s2  }
0x8d: {  	s2 =	sadd.s32 s2, s17  }
0x8e: {  	[smem:$0x3FC6] =	sst s2  }
0x8f: {  	_ = 	snop  }
0x90: {  	s2 =	sld [smem:$0x3FC9];
	(tm) =	ssettm $0x1  }
0x91: {  	s18 =	sld [smem:$0x3FFB];
	_ =	sdelay $0x3  }
0x92: {  	_ =	strace s18  }
0x93: {  	s3 =	sld [smem:$0x3FFC];
	_ =	sdelay $0x3  }
0x94: {  	_ =	strace s3  }
0x95: {  	s3 =	sld [smem:$0x3FFD];
	_ =	sdelay $0x3  }
0x96: {  	_ =	strace s3  }
0x97: {  	_ =	strace $0x8FFFFFFF  }
0x98: {  	s19 =	sld [smem:$0x3FDB];
	_ =	sdelay $0x1  }
0x99: {  	s4 =	simm.s32 $_scs_section_size  }
0x9a: {  	s5 =	simm.s32 $_size__tile_overlayer_lowered;
	s6 =	simm.s32 $_tile_overlayer_lowered  }
0x9b: {  	s22 =	simm.s32 $0x1BFF;
	s21 =	sshll.u32 s6, $0x1;
	s3 =	sadd.s32 s4, s19  }
0x9c: {  	s7 =	simm.s32 $0x0;
	s20 =	sshll.u32 s5, $0x1;
	s5 =	sadd.s32 s21, s3  }
0x9d: {  	[timem:s7], [sflag:s22] =	dma.local [hbm:s5], s20  }
0x9e: {  	_ =	swait.ge [sflag:s22], s20  }
0x9f: {  	s4 =	ssub.s32 $0x0, s20;
	[sflag:s22] =	ssyncset.done $0x0  }
0xa0: {  	[sflag:s22] =	ssyncadd.s32 s4;
	_ =	sdelay $0x1  }
0xa1: {  	s23 =	simm.s32 $0x1B8B  }
0xa2: {  	_ =	swait.ge [sflag:s23], $0x1  }
0xa3: {  	[sflag:s23] =	ssyncset.done $0x0  }
0xa4: {  	s25 =	simm.s32 $0x1B8E;
	s24 =	sld [smem:$0x3FFE];
	[sflag:s23] =	ssyncadd.s32 $0xFFFFFFFF  }
0xa5: {  	s26 =	simm.s32 $execute0_lowered;
	[smem:$0x3FD2] =	sst s25  }
0xa6: {  	s5 =	sshll.u32 s26, $0x1;
	_ =	strace $0x80000046;
	[dreg:$0x1] =	wrdreg $0xFFFFFFFF  }
0xa7: {  	s28 =	simm.s32 $_size_execute0_lowered;
	s3 =	sadd.s32 s3, s5;
	[dreg:$0x0] =	wrdreg $0x0  }
0xa8: {  	s5 =	sshll.u32 s28, $0x1;
	[dreg:$0x2] =	wrdreg s3  }
0xa9: {  	[dreg:$0x3] =	wrdreg s5  }
0xaa: {  	[dreg:$0x4] =	wrdreg $0xC0  }
0xab: {  	_ =	task [dreg:s7], $0x5FFFF  }
0xac: {  	[dreg:$0x1] =	wrdreg $0xFFFFFFFF  }
0xad: {  	[dreg:$0x0] =	wrdreg $0x60  }
0xae: {  	[dreg:$0x2] =	wrdreg s2  }
0xaf: {  	[dreg:$0x3] =	wrdreg s24  }
0xb0: {  	[dreg:$0x4] =	wrdreg $0x9  }
0xb1: {  	_ =	task.clear_ibuf [dreg:s7], $0x5FFFF;
	_ =	strace $0x90000046  }
0xb2: {  	s29 =	simm.s32 $0x9;
	_ =	strace $0x80000048  }
0xb3: {  	_ =	swait.ge [sflag:s29], $0x1  }
0xb4: {  	[sflag:s29] =	ssyncadd.s32 $0xFFFFFFFF  }
0xb5: {  	_ =	strace $0x90000048  }
0xb6: {  	_ =	sfence  }
0xb7: {  	s30 =	sld [smem:$0x0];
	_ =	sdelay $0x2  }
0xb8: {  	s31 =	sshll.u32 s1, $0xD;
	s1 =	sshrl.u32 s1, $0x2  }
0xb9: {  	s3 =	sand.u32 $0x4000, s31;
	s1 =	sadd.s32 s1, s30  }
0xba: {  	s0 =	sor.u32 s3, s0;
	s1 =	sshll.u32 s1, $0x11  }
0xbb: {  	s0 =	sor.u32 s1, s0  }
0xbc: {  	s0 =	sadd.s32 $0x8F2B, s0  }
0xbd: {  	[sflag:s0] =	ssyncadd.remote.s32 $0x1  }
0xbe: {  	_ =	sfence.sel $0xFFFF  }
0xbf: {  	[dreg:$0x0] =	wrdreg $0xFFFFFFFF;
	(pc) =	sbr.abs _section_cstart, $3  }
0xc0: {  	[dreg:$0x1] =	wrdreg $0xFFFFFFFF  }
0xc1: {  	_ =	task.clear_ibuf [dreg:s7], $0x2FFFF;
	_ =	strace $0x9FFFFFFF  }
0xc2: {  	(tm) =	ssettm $0x7FFFFFFF  }
0xc3: {  	_ =	shalt  }
tec
execute0_lowered:
.L_overlay_start_1:
0x0: {  	(tag) =	ssettag $0x1  }
0x1: {  	s0 =	srdreg.scid  }
0x2: {  	s6 =	stileid.u32;
	s4 =	rddreg [dreg:$0x0]  }
0x3: {  	s2 =	rddreg [dreg:$0x1];
	s3 =	simm.s32 $0x0;
	s5 =	simm.s32 $0x1  }
0x4: {  	s17 =	simm.s32 $0x1;
	s8 =	simm.s32 $0xC400;
	s9 =	simm.s32 $0xA  }
0x5: {  	s29 =	simm.s32 $0xC;
	s28 =	simm.s32 $0x4;
	s30 =	simm.s32 $0x6  }
0x6: {  	s31 =	simm.s32 $0x7;
	s0 =	sand.u32 $0x1, s0;
	s1 =	sshll.u32 s6, $0x1  }
0x7: {  	[smem:$0x7FF] =	sst s3;
	s3 =	sadd.s32 $0xF42800, s2;
	s1 =	sor.u32 s0, s1  }
0x8: {  	s14 =	sadd.s32 $0x400, s2;
	p1 =	seq.s32 s0, $0x1;
	p0 =	seq.s32 s1, $0x0  }
0x9: {  	_ =	strace $0x80000047;
	s10 =	ssub.s32 $0x2, s0;
	p0 =	por !p0, !p1  }
0xa: {  	s0 =	sshll.u32 s0, $0x6;
	s7 =	sshrl.u32 s10, $0x1;
	p0 =	por !p0, !p0  }
0xb: {  	s1 =	sshll.u32 s1, $0x7;
	s12 =	ssub.s32 s10, s7;
	s5 =	simm.s32 @!p0 $0x0  }
0xc: {  	s1 =	sadd.s32 s4, s1;
	s10 =	simm.s32 $0xB;
	s5 =	ssub.s32 s6, s5  }
0xd: {  	s4 =	simm.s32 $0x0;
	[dreg:$0xb] =	wrdreg s1;
	s5 =	sshll.u32 s5, $0xE  }
0xe: {  	s1 =	simm.s32 $0x8;
	s6 =	simm.s32 $0x14400;
	s11 =	sor.u32 s0, s5  }
0xf: {  	s0 =	smax.u32 s12, $0x1;
	s12 =	simm.s32 $0x80;
	s5 =	sadd.s32 $0xC0000, s11  }
0x10: {  	s13 =	sadd.s32 $0x80000, s11;
	s16 =	sadd.s32 $0x40000, s11;
	s19 =	sadd.s32 $0x100000, s11  }
0x11: {  	s21 =	sadd.s32 $0x1C0000, s11;
	s23 =	sadd.s32 $0x180000, s11;
	[dreg:$0xa] =	wrdreg s11  }
0x12: {  	s25 =	sadd.s32 $0x140000, s11;
	[dreg:$0xc] =	wrdreg s0;
	s5 =	sshrl.u32 s5, $0x3  }
0x13: {  	s11 =	simm.s32 $0xE400;
	s15 =	sshrl.u32 s13, $0x3;
	[dreg:$0x3] =	wrdreg s5  }
0x14: {  	s0 =	simm.s32 $0x9;
	s18 =	sshrl.u32 s16, $0x3;
	[dreg:$0x4] =	wrdreg s15  }
0x15: {  	s20 =	sshrl.u32 s19, $0x3;
	s22 =	sshrl.u32 s21, $0x3;
	[dreg:$0x5] =	wrdreg s18  }
0x16: {  	s24 =	sshrl.u32 s23, $0x3;
	s26 =	sshrl.u32 s25, $0x3;
	[dreg:$0x6] =	wrdreg s20  }
0x17: {  	s16 =	simm.s32 $0x6400;
	s23 =	simm.s32 $0xA400;
	[dreg:$0x7] =	wrdreg s22  }
0x18: {  	s19 =	simm.s32 $0x2;
	s21 =	simm.s32 $0x4;
	[dreg:$0x8] =	wrdreg s24  }
0x19: {  	s13 =	simm.s32 $0x10400;
	s25 =	simm.s32 $0x6;
	[dreg:$0x9] =	wrdreg s26  }
0x1a: {  	s18 =	simm.s32 $0x8400;
	s20 =	simm.s32 $0x3;
	s22 =	simm.s32 $0x40  }
0x1b: {  	s15 =	simm.s32 $0x12400;
	s24 =	simm.s32 $0x5;
	s26 =	simm.s32 $0x7  }
.LBB2_1:
0x1c: {  	[dreg:$0xd] =	wrdreg s4;
	s2 =	simm.s32 $0x0  }
0x1d: {  	s4 =	rddreg [dreg:$0xb];
	s5 =	simm.s32 $0x400;
	s7 =	simm.s32 $0x8000  }
0x1e: {  	[tilespmem:s2], [sflag:$0x11] =	stream.strided.gather [hbm4b:s4+s5], $0x6400, s7, s5, $0x38;
	[tilespmem:$0x16400] =	vst v63  }
0x1f: {  	s7 =	simm.s32 $0x11  }
0x20: {  	_ =	swait.ge [sflag:s7], $0x6400  }
0x21: {  	[sflag:s7] =	ssyncset.done $0x0  }
0x22: {  	[sflag:s7] =	ssyncadd.s32 $0xFFFF9C00  }
0x23: {  	[tilespmem:s16], [sflag:$0x1] =	stream.indirect.gather [hbm4b:s3+s12], $0x40, s2, s12, $0xb8;
	[tilespmem:$0x16400] =	vst v63  }
0x24: {  	_ = 	snop  }
0x25: {  	[tilespmem:s18], [sflag:$0x2] =	stream.indirect.gather [hbm4b:s3+s12], $0x40, s12, s12, $0xb8;
	[tilespmem:$0x16400] =	vst v63  }
0x26: {  	s5 =	simm.s32 $0x100  }
0x27: {  	[tilespmem:s23], [sflag:$0x3] =	stream.indirect.gather [hbm4b:s3+s12], $0x40, s5, s12, $0xb8;
	[tilespmem:$0x16400] =	vst v63  }
0x28: {  	s7 =	simm.s32 $0x180  }
0x29: {  	[tilespmem:s8], [sflag:$0x4] =	stream.indirect.gather [hbm4b:s3+s12], $0x40, s7, s12, $0xb8;
	[tilespmem:$0x16400] =	vst v63  }
0x2a: {  	_ =	swait.ge [sflag:s17], $0x2000  }
0x2b: {  	[sflag:s17] =	ssyncset.done $0x0  }
0x2c: {  	[sflag:s17] =	ssyncadd.s32 $0xFFFFE000  }
0x2d: {  	_ =	swait.ge [sflag:s19], $0x2000  }
0x2e: {  	[sflag:s19] =	ssyncset.done $0x0  }
0x2f: {  	[sflag:s19] =	ssyncadd.s32 $0xFFFFE000  }
0x30: {  	_ =	swait.ge [sflag:s20], $0x2000  }
0x31: {  	[sflag:s20] =	ssyncset.done $0x0  }
0x32: {  	[sflag:s20] =	ssyncadd.s32 $0xFFFFE000  }
0x33: {  	_ =	swait.ge [sflag:s21], $0x2000  }
0x34: {  	s2 =	rddreg [dreg:$0xa]  }
0x35: {  	[sflag:s21] =	ssyncset.done $0x0;
	s19 =	sshrl.u32 s2, $0x3  }
0x36: {  	s20 =	rddreg [dreg:$0x5];
	[sflag:s21] =	ssyncadd.s32 $0xFFFFE000;
	s4 =	sadd.s32 s14, s19  }
0x37: {  	[hbm4b:s4+s22] =	stream.strided.scatter [tilespmem:s16], [sflag:$0x9], $0x2000, s12, s22, $0x38;
	[tilespmem:$0x16400] =	vst v63  }
0x38: {  	s21 =	rddreg [dreg:$0x4];
	s5 =	sadd.s32 s14, s20  }
0x39: {  	[hbm4b:s5+s22] =	stream.strided.scatter [tilespmem:s18], [sflag:$0xA], $0x2000, s12, s22, $0x38;
	[tilespmem:$0x16400] =	vst v63  }
0x3a: {  	p0 =	por $0x1, $0x1;
	s17 =	rddreg [dreg:$0x3];
	s19 =	sadd.s32 s14, s21  }
0x3b: {  	[hbm4b:s19+s22] =	stream.strided.scatter [tilespmem:s23], [sflag:$0xB], $0x2000, s12, s22, $0x38;
	[tilespmem:$0x16400] =	vst v63  }
0x3c: {  	s20 =	sadd.s32 s14, s17;
	s4 =	simm.s32 @!p0 $0xD  }
0x3d: {  	[hbm4b:s20+s22] =	stream.strided.scatter [tilespmem:s8], [sflag:$0xC], $0x2000, s12, s22, $0x38;
	[tilespmem:$0x16400] =	vst v63  }
0x3e: {  	_ =	swait.ge @!p0 [sflag:s4], $0x2000  }
0x3f: {  	[sflag:s4] =	ssyncset.done @!p0 $0x0  }
0x40: {  	s5 =	simm.s32 @!p0 $0xE;
	[sflag:s4] =	ssyncadd.s32 @!p0 $0xFFFFE000  }
0x41: {  	_ =	swait.ge @!p0 [sflag:s5], $0x2000  }
0x42: {  	[sflag:s5] =	ssyncset.done @!p0 $0x0  }
0x43: {  	s4 =	simm.s32 @!p0 $0xF;
	[sflag:s5] =	ssyncadd.s32 @!p0 $0xFFFFE000  }
0x44: {  	_ =	swait.ge @!p0 [sflag:s4], $0x2000  }
0x45: {  	[sflag:s4] =	ssyncset.done @!p0 $0x0  }
0x46: {  	s5 =	simm.s32 @!p0 $0x10;
	[sflag:s4] =	ssyncadd.s32 @!p0 $0xFFFFE000  }
0x47: {  	_ =	swait.ge @!p0 [sflag:s5], $0x2000  }
0x48: {  	[sflag:s5] =	ssyncset.done @!p0 $0x0  }
0x49: {  	s21 =	simm.s32 $0x200;
	[sflag:s5] =	ssyncadd.s32 @!p0 $0xFFFFE000  }
0x4a: {  	[tilespmem:s11], [sflag:$0x5] =	stream.indirect.gather [hbm4b:s3+s12], $0x40, s21, s12, $0xb8;
	[tilespmem:$0x16400] =	vst v63  }
0x4b: {  	s5 =	simm.s32 $0x280  }
0x4c: {  	[tilespmem:s13], [sflag:$0x6] =	stream.indirect.gather [hbm4b:s3+s12], $0x40, s5, s12, $0xb8;
	[tilespmem:$0x16400] =	vst v63  }
0x4d: {  	s7 =	simm.s32 $0x300  }
0x4e: {  	[tilespmem:s15], [sflag:$0x7] =	stream.indirect.gather [hbm4b:s3+s12], $0x40, s7, s12, $0xb8;
	[tilespmem:$0x16400] =	vst v63  }
0x4f: {  	s8 =	simm.s32 $0x380  }
0x50: {  	[tilespmem:s6], [sflag:$0x8] =	stream.indirect.gather [hbm4b:s3+s12], $0x40, s8, s12, $0xb8;
	[tilespmem:$0x16400] =	vst v63  }
0x51: {  	_ =	swait.ge [sflag:s24], $0x2000  }
0x52: {  	[sflag:s24] =	ssyncset.done $0x0  }
0x53: {  	[sflag:s24] =	ssyncadd.s32 $0xFFFFE000  }
0x54: {  	_ =	swait.ge [sflag:s25], $0x2000  }
0x55: {  	[sflag:s25] =	ssyncset.done $0x0  }
0x56: {  	[sflag:s25] =	ssyncadd.s32 $0xFFFFE000  }
0x57: {  	_ =	swait.ge [sflag:s26], $0x2000  }
0x58: {  	[sflag:s26] =	ssyncset.done $0x0  }
0x59: {  	[sflag:s26] =	ssyncadd.s32 $0xFFFFE000  }
0x5a: {  	_ =	swait.ge [sflag:s1], $0x2000  }
0x5b: {  	s17 =	rddreg [dreg:$0x6];
	[sflag:s1] =	ssyncset.done $0x0  }
0x5c: {  	s19 =	rddreg [dreg:$0x9];
	[sflag:s1] =	ssyncadd.s32 $0xFFFFE000;
	s4 =	sadd.s32 s14, s17  }
0x5d: {  	[hbm4b:s4+s22] =	stream.strided.scatter [tilespmem:s11], [sflag:$0xD], $0x2000, s12, s22, $0x38;
	[tilespmem:$0x16400] =	vst v63  }
0x5e: {  	s20 =	rddreg [dreg:$0x8];
	s21 =	sadd.s32 s14, s19  }
0x5f: {  	[hbm4b:s21+s22] =	stream.strided.scatter [tilespmem:s13], [sflag:$0xE], $0x2000, s12, s22, $0x38;
	[tilespmem:$0x16400] =	vst v63  }
0x60: {  	s24 =	rddreg [dreg:$0x7];
	s25 =	sadd.s32 s14, s20  }
0x61: {  	[hbm4b:s25+s22] =	stream.strided.scatter [tilespmem:s15], [sflag:$0xF], $0x2000, s12, s22, $0x38;
	[tilespmem:$0x16400] =	vst v63  }
0x62: {  	s26 =	sadd.s32 s14, s24  }
0x63: {  	[hbm4b:s26+s22] =	stream.strided.scatter [tilespmem:s6], [sflag:$0x10], $0x2000, s12, s22, $0x38;
	[tilespmem:$0x16400] =	vst v63  }
0x64: {  	_ =	swait.ge [sflag:s0], $0x2000  }
0x65: {  	[sflag:s0] =	ssyncset.done $0x0  }
0x66: {  	[sflag:s0] =	ssyncadd.s32 $0xFFFFE000  }
0x67: {  	p1 =	por $0x0, $0x0;
	_ =	swait.ge [sflag:s9], $0x2000  }
0x68: {  	s5 =	simm.s32 @!p1 $0x400;
	s8 =	simm.s32 @!p1 $0x580;
	[sflag:s9] =	ssyncset.done $0x0  }
0x69: {  	s1 =	simm.s32 $0x8;
	s20 =	simm.s32 $0x2;
	[sflag:s9] =	ssyncadd.s32 $0xFFFFE000  }
0x6a: {  	s19 =	simm.s32 $0x1;
	s17 =	simm.s32 @!p1 $0x80;
	_ =	swait.ge [sflag:s10], $0x2000  }
0x6b: {  	s24 =	simm.s32 $0xE400;
	s4 =	simm.s32 @!p1 $0x6400;
	[sflag:s10] =	ssyncset.done $0x0  }
0x6c: {  	s11 =	simm.s32 $0x1000;
	s21 =	simm.s32 $0x3;
	[sflag:s10] =	ssyncadd.s32 $0xFFFFE000  }
0x6d: {  	s13 =	simm.s32 @!p1 $0xC400;
	s25 =	simm.s32 $0x10400;
	_ =	swait.ge [sflag:s29], $0x2000  }
0x6e: {  	s15 =	simm.s32 $0x3;
	s6 =	simm.s32 $0xC;
	[sflag:s29] =	ssyncset.done $0x0  }
0x6f: {  	s26 =	simm.s32 $0x12400;
	s0 =	simm.s32 $0x9;
	[sflag:s29] =	ssyncadd.s32 $0xFFFFE000  }
0x70: {  	[tilespmem:s4], [sflag:$0x1] =	stream.indirect.gather @!p1 [hbm4b:s3+s17], $0x40, s5, s17, $0xb8;
	[tilespmem:$0x16400] =	vst v63  }
0x71: {  	s9 =	simm.s32 $0xA;
	s4 =	simm.s32 @!p1 $0x480;
	s5 =	simm.s32 @!p1 $0x8400  }
0x72: {  	[tilespmem:s5], [sflag:$0x2] =	stream.indirect.gather @!p1 [hbm4b:s3+s17], $0x40, s4, s17, $0xb8;
	[tilespmem:$0x16400] =	vst v63  }
0x73: {  	s10 =	simm.s32 $0xB;
	s4 =	simm.s32 @!p1 $0x500;
	s5 =	simm.s32 @!p1 $0xA400  }
0x74: {  	[tilespmem:s5], [sflag:$0x3] =	stream.indirect.gather @!p1 [hbm4b:s3+s17], $0x40, s4, s17, $0xb8;
	[tilespmem:$0x16400] =	vst v63  }
0x75: {  	s29 =	simm.s32 $0x5;
	s5 =	smov.u32 s2;
	s4 =	smov.u32 s14  }
.LBB2_2:
0x76: {  	[tilespmem:s13], [sflag:$0x4] =	stream.indirect.gather @!p1 [hbm4b:s3+s17], $0x40, s8, s17, $0xb8;
	[tilespmem:$0x16400] =	vst v63  }
0x77: {  	_ =	swait.ge [sflag:s19], $0x2000  }
0x78: {  	[sflag:s19] =	ssyncset.done $0x0  }
0x79: {  	[sflag:s19] =	ssyncadd.s32 $0xFFFFE000  }
0x7a: {  	_ =	swait.ge [sflag:s20], $0x2000  }
0x7b: {  	[sflag:s20] =	ssyncset.done $0x0  }
0x7c: {  	[sflag:s20] =	ssyncadd.s32 $0xFFFFE000  }
0x7d: {  	_ =	swait.ge [sflag:s21], $0x2000  }
0x7e: {  	[sflag:s21] =	ssyncset.done $0x0  }
0x7f: {  	[sflag:s21] =	ssyncadd.s32 $0xFFFFE000  }
0x80: {  	s5 =	sadd.s32 $0x200000, s5;
	_ =	swait.ge [sflag:s28], $0x2000  }
0x81: {  	s4 =	sadd.s32 $0x40000, s4;
	s17 =	sshrl.u32 s5, $0x3;
	[sflag:s28] =	ssyncset.done $0x0  }
0x82: {  	s8 =	sadd.s32 s14, s17;
	s2 =	rddreg [dreg:$0x5];
	[sflag:s28] =	ssyncadd.s32 $0xFFFFE000  }
0x83: {  	[hbm4b:s8+s22] =	stream.strided.scatter [tilespmem:s16], [sflag:$0x9], $0x2000, s12, s22, $0x38;
	[tilespmem:$0x16400] =	vst v63  }
0x84: {  	s7 =	smov.u32 s11;
	s17 =	rddreg [dreg:$0x4];
	s16 =	sadd.s32 s4, s2  }
0x85: {  	[hbm4b:s16+s22] =	stream.strided.scatter [tilespmem:s18], [sflag:$0xA], $0x2000, s12, s22, $0x38;
	[tilespmem:$0x16400] =	vst v63  }
0x86: {  	p1 =	seq.s32 s7, $0x0;
	s2 =	rddreg [dreg:$0x3];
	s16 =	sadd.s32 s4, s17  }
0x87: {  	[hbm4b:s16+s22] =	stream.strided.scatter [tilespmem:s23], [sflag:$0xB], $0x2000, s12, s22, $0x38;
	[tilespmem:$0x16400] =	vst v63  }
0x88: {  	s8 =	simm.s32 @!p1 $0xD;
	s17 =	sadd.s32 s4, s2;
	s2 =	simm.s32 $0xC400  }
0x89: {  	[hbm4b:s17+s22] =	stream.strided.scatter [tilespmem:s2], [sflag:$0xC], $0x2000, s12, s22, $0x38;
	[tilespmem:$0x16400] =	vst v63  }
0x8a: {  	_ =	swait.ge @!p1 [sflag:s8], $0x2000  }
0x8b: {  	[sflag:s8] =	ssyncset.done @!p1 $0x0  }
0x8c: {  	s13 =	simm.s32 @!p1 $0xE;
	[sflag:s8] =	ssyncadd.s32 @!p1 $0xFFFFE000  }
0x8d: {  	_ =	swait.ge @!p1 [sflag:s13], $0x2000  }
0x8e: {  	[sflag:s13] =	ssyncset.done @!p1 $0x0  }
0x8f: {  	s8 =	simm.s32 @!p1 $0xF;
	[sflag:s13] =	ssyncadd.s32 @!p1 $0xFFFFE000  }
0x90: {  	_ =	swait.ge @!p1 [sflag:s8], $0x2000  }
0x91: {  	[sflag:s8] =	ssyncset.done @!p1 $0x0  }
0x92: {  	s13 =	simm.s32 @!p1 $0x10;
	[sflag:s8] =	ssyncadd.s32 @!p1 $0xFFFFE000  }
0x93: {  	_ =	swait.ge @!p1 [sflag:s13], $0x2000  }
0x94: {  	s18 =	sshra.s32 s7, $0x2;
	[sflag:s13] =	ssyncset.done @!p1 $0x0  }
0x95: {  	s23 =	sadd.s32 $0x200, s18;
	[sflag:s13] =	ssyncadd.s32 @!p1 $0xFFFFE000  }
0x96: {  	[tilespmem:s24], [sflag:$0x5] =	stream.indirect.gather [hbm4b:s3+s12], $0x40, s23, s12, $0xb8;
	[tilespmem:$0x16400] =	vst v63  }
0x97: {  	s2 =	sadd.s32 $0x280, s18  }
0x98: {  	[tilespmem:s25], [sflag:$0x6] =	stream.indirect.gather [hbm4b:s3+s12], $0x40, s2, s12, $0xb8;
	[tilespmem:$0x16400] =	vst v63  }
0x99: {  	s16 =	sadd.s32 $0x300, s18  }
0x9a: {  	[tilespmem:s26], [sflag:$0x7] =	stream.indirect.gather [hbm4b:s3+s12], $0x40, s16, s12, $0xb8;
	[tilespmem:$0x16400] =	vst v63  }
0x9b: {  	s8 =	sadd.s32 $0x380, s18;
	s2 =	simm.s32 $0x14400  }
0x9c: {  	[tilespmem:s2], [sflag:$0x8] =	stream.indirect.gather [hbm4b:s3+s12], $0x40, s8, s12, $0xb8;
	[tilespmem:$0x16400] =	vst v63  }
0x9d: {  	_ =	swait.ge [sflag:s29], $0x2000  }
0x9e: {  	[sflag:s29] =	ssyncset.done $0x0  }
0x9f: {  	[sflag:s29] =	ssyncadd.s32 $0xFFFFE000  }
0xa0: {  	_ =	swait.ge [sflag:s30], $0x2000  }
0xa1: {  	[sflag:s30] =	ssyncset.done $0x0  }
0xa2: {  	[sflag:s30] =	ssyncadd.s32 $0xFFFFE000  }
0xa3: {  	_ =	swait.ge [sflag:s31], $0x2000  }
0xa4: {  	[sflag:s31] =	ssyncset.done $0x0  }
0xa5: {  	[sflag:s31] =	ssyncadd.s32 $0xFFFFE000  }
0xa6: {  	_ =	swait.ge [sflag:s1], $0x2000  }
0xa7: {  	s17 =	rddreg [dreg:$0x6];
	[sflag:s1] =	ssyncset.done $0x0  }
0xa8: {  	s18 =	rddreg [dreg:$0x9];
	[sflag:s1] =	ssyncadd.s32 $0xFFFFE000;
	s8 =	sadd.s32 s4, s17  }
0xa9: {  	[hbm4b:s8+s22] =	stream.strided.scatter [tilespmem:s24], [sflag:$0xD], $0x2000, s12, s22, $0x38;
	[tilespmem:$0x16400] =	vst v63  }
0xaa: {  	s23 =	rddreg [dreg:$0x8];
	s13 =	sadd.s32 s4, s18  }
0xab: {  	[hbm4b:s13+s22] =	stream.strided.scatter [tilespmem:s25], [sflag:$0xE], $0x2000, s12, s22, $0x38;
	[tilespmem:$0x16400] =	vst v63  }
0xac: {  	s16 =	rddreg [dreg:$0x7];
	s18 =	sadd.s32 s4, s23  }
0xad: {  	[hbm4b:s18+s22] =	stream.strided.scatter [tilespmem:s26], [sflag:$0xF], $0x2000, s12, s22, $0x38;
	[tilespmem:$0x16400] =	vst v63  }
0xae: {  	s23 =	sadd.s32 s4, s16  }
0xaf: {  	[hbm4b:s23+s22] =	stream.strided.scatter [tilespmem:s2], [sflag:$0x10], $0x2000, s12, s22, $0x38;
	[tilespmem:$0x16400] =	vst v63  }
0xb0: {  	_ =	swait.ge [sflag:s0], $0x2000  }
0xb1: {  	[sflag:s0] =	ssyncset.done $0x0  }
0xb2: {  	[sflag:s0] =	ssyncadd.s32 $0xFFFFE000  }
0xb3: {  	_ =	swait.ge [sflag:s9], $0x2000  }
0xb4: {  	[sflag:s9] =	ssyncset.done $0x0  }
0xb5: {  	[sflag:s9] =	ssyncadd.s32 $0xFFFFE000  }
0xb6: {  	s11 =	sadd.s32 $0x1000, s11;
	_ =	swait.ge [sflag:s10], $0x2000  }
0xb7: {  	p0 =	sne.s32 s11, $0x19000;
	p1 =	sgt.u32 s15, $0x30;
	[sflag:s10] =	ssyncset.done $0x0  }
0xb8: {  	s15 =	sadd.s32 $0x2, s15;
	s7 =	sshra.s32 @!p1 s7, $0x2;
	[sflag:s10] =	ssyncadd.s32 $0xFFFFE000  }
0xb9: {  	s17 =	simm.s32 @!p1 $0x80;
	s16 =	simm.s32 @!p1 $0x8400;
	_ =	swait.ge [sflag:s6], $0x2000  }
0xba: {  	s8 =	simm.s32 @!p1 $0x6400;
	s13 =	sadd.s32 @!p1 $0x400, s7;
	[sflag:s6] =	ssyncset.done $0x0  }
0xbb: {  	s18 =	sadd.s32 @!p1 $0x500, s7;
	s23 =	smov.u32 s14;
	[sflag:s6] =	ssyncadd.s32 $0xFFFFE000  }
0xbc: {  	[tilespmem:s8], [sflag:$0x1] =	stream.indirect.gather @!p1 [hbm4b:s3+s17], $0x40, s13, s17, $0xb8;
	[tilespmem:$0x16400] =	vst v63  }
.Ltmp0:
0xbd: {  	s14 =	sadd.s32 @!p1 $0x480, s7;
	s2 =	simm.s32 @!p1 $0xA400;
	(pc) =	sbr.rel @p0 .LBB2_2-.Ltmp0, $4  }
0xbe: {  	[tilespmem:s16], [sflag:$0x2] =	stream.indirect.gather @!p1 [hbm4b:s3+s17], $0x40, s14, s17, $0xb8;
	[tilespmem:$0x16400] =	vst v63  }
0xbf: {  	s8 =	sadd.s32 @!p1 $0x580, s7;
	s13 =	simm.s32 @!p1 $0xC400;
	s16 =	simm.s32 $0x6400  }
0xc0: {  	[tilespmem:s2], [sflag:$0x3] =	stream.indirect.gather @!p1 [hbm4b:s3+s17], $0x40, s18, s17, $0xb8;
	[tilespmem:$0x16400] =	vst v63  }
0xc1: {  	s14 =	smov.u32 s23;
	s23 =	simm.s32 $0xA400;
	s18 =	simm.s32 $0x8400  }
0xc2: {  	[tilespmem:s13], [sflag:$0x4] =	stream.indirect.gather @!p1 [hbm4b:s3+s17], $0x40, s8, s17, $0xb8;
	[tilespmem:$0x16400] =	vst v63  }
0xc3: {  	s0 =	simm.s32 $0xD  }
0xc4: {  	_ =	swait.ge [sflag:s0], $0x2000  }
0xc5: {  	[sflag:s0] =	ssyncset.done $0x0  }
0xc6: {  	s24 =	simm.s32 $0xE;
	[sflag:s0] =	ssyncadd.s32 $0xFFFFE000  }
0xc7: {  	_ =	swait.ge [sflag:s24], $0x2000  }
0xc8: {  	[sflag:s24] =	ssyncset.done $0x0  }
0xc9: {  	s25 =	simm.s32 $0xF;
	[sflag:s24] =	ssyncadd.s32 $0xFFFFE000  }
0xca: {  	_ =	swait.ge [sflag:s25], $0x2000  }
0xcb: {  	[sflag:s25] =	ssyncset.done $0x0  }
0xcc: {  	s26 =	simm.s32 $0x10;
	[sflag:s25] =	ssyncadd.s32 $0xFFFFE000  }
0xcd: {  	_ =	swait.ge [sflag:s26], $0x2000  }
0xce: {  	s8 =	simm.s32 $0xC400;
	s11 =	simm.s32 $0xE400;
	s4 =	rddreg [dreg:$0xd]  }
0xcf: {  	s13 =	simm.s32 $0x10400;
	s2 =	rddreg [dreg:$0xc];
	s4 =	sadd.s32 $0x1, s4  }
0xd0: {  	s15 =	simm.s32 $0x12400;
	s6 =	simm.s32 $0x14400;
	p0 =	sne.s32 s4, s2  }
.Ltmp1:
0xd1: {  	s17 =	simm.s32 $0x1;
	s19 =	simm.s32 $0x2;
	(pc) =	sbr.rel @p0 .LBB2_1-.Ltmp1, $4  }
0xd2: {  	s20 =	simm.s32 $0x3;
	s21 =	simm.s32 $0x4;
	s1 =	simm.s32 $0x8  }
0xd3: {  	s9 =	simm.s32 $0xA;
	s10 =	simm.s32 $0xB;
	s29 =	simm.s32 $0xC  }
0xd4: {  	s0 =	simm.s32 $0x9;
	s24 =	simm.s32 $0x5;
	[sflag:s26] =	ssyncset.done $0x0  }
0xd5: {  	s25 =	simm.s32 $0x6;
	[sflag:s26] =	ssyncadd.s32 $0xFFFFE000;
	s26 =	simm.s32 $0x7  }
0xd6: {  	_ =	sfence.sel $0x180000  }
0xd7: {  	[bflag:$0x0] =	sbarrier.arrive $0xFFFF  }
0xd8: {  	_ =	strace $0x90000047  }
0xd9: {  	s0 =	stileid.u32;
	[bflag:$0x2] =	sbarrier.arrive $0xFFFF  }
0xda: {  	p0 =	sne.s32 s0, $0x0;
	s0 =	rddreg [dreg:$0x2]  }
0xdb: {  	s0 =	sadd.s32 @!p0 $0x100000, s0  }
0xdc: {  	[sflag:s0] =	ssyncadd.tile.s32 @!p0 $0x1;
	_ =	shalt  }
.Lfunc_end2:
_tile_overlayer_lowered:
.L_overlay_start_2:
0xdd: {  	(tag) =	ssettag $0x2  }
0xde: {  	s0 =	rddreg [dreg:$0x0];
	s2 =	stileid.u32  }
0xdf: {  	s1 =	rddreg [dreg:$0x1];
	p0 =	sne.s32 s2, $0x0  }
0xe0: {  	s3 =	rddreg [dreg:$0x2];
	[bflag:$0x3] =	sbarrier.arrive $0xFFFF;
	s2 =	simm.s32 @!p0 $0x1C11  }
0xe1: {  	[timem:s3], [sflag:s2] =	dma.local @!p0 [hbm:s0], s1  }
0xe2: {  	s0 =	simm.s32 @!p0 $0x11  }
0xe3: {  	_ =	swait.ge @!p0 [sflag:s0], s1  }
0xe4: {  	s1 =	ssub.s32 @!p0 $0x0, s1;
	[sflag:s0] =	ssyncset.done @!p0 $0x0  }
0xe5: {  	[sflag:s0] =	ssyncadd.s32 @!p0 s1  }
0xe6: {  	[bflag:$0x3] =	sbarrier.arrive $0xFFFF  }
0xe7: {  	_ =	shalt  }

</sc_bundles>
